<compile_context>
chip_gen: v7x
topology: tpu7x:2x2x1
jax: 0.10.2.dev20260603
libtpu: 0.0.44.dev20260713+nightly
codegen_flags: <defaults>
</compile_context>

<pallas_src>
import functools

import jax
import jax.numpy as jnp
from jax import lax
from jax.experimental import pallas as pl
from jax.experimental.pallas import tpu as pltpu
from jax.experimental.pallas import tpu_sc as plsc

NS = 16
NCORES = 2


def _deg_kernel(NP, E, C):
    RPT = E // C // NS
    NPT = NP // NS
    mesh = plsc.VectorSubcoreMesh(core_axis_name="c", subcore_axis_name="s")

    @functools.partial(
        pl.kernel,
        out_type=[
            jax.ShapeDtypeStruct((NP,), jnp.float32),
            jax.ShapeDtypeStruct((NP,), jnp.float32),
        ],
        mesh=mesh,
        compiler_params=pltpu.CompilerParams(use_tc_tiling_on_sc=False),
        scratch_types=[
            pltpu.VMEM((RPT, C), jnp.int32),
            pltpu.VMEM((C,), jnp.float32),
            pltpu.VMEM((NPT,), jnp.float32),
            pltpu.VMEM_SHARED((NP,), jnp.float32),
        ],
    )
    def deg(ei4, ones_h, zeros_h, out0_h, out1_h, idx_v, ones_v, zer_v, acc_s):
        c = lax.axis_index("c")
        s = lax.axis_index("s")
        pltpu.sync_copy(zeros_h, zer_v)
        pltpu.sync_copy(zer_v, acc_s.at[pl.ds(s * NPT, NPT)])
        pltpu.sync_copy(ones_h, ones_v)
        pltpu.sync_copy(ei4.at[c, s], idx_v)
        plsc.subcore_barrier()

        @pl.loop(0, RPT)
        def _(j):
            pltpu.sync_copy(ones_v, acc_s.at[idx_v.at[j]], add=True)

        plsc.subcore_barrier()
        sl = pl.ds(s * NPT, NPT)
        pltpu.sync_copy(acc_s.at[sl], zer_v)

        @pl.when(c == 0)
        def _():
            pltpu.sync_copy(zer_v, out0_h.at[sl])

        @pl.when(c == 1)
        def _():
            pltpu.sync_copy(zer_v, out1_h.at[sl])

    return deg


def _edge_pipeline(h_h, src_v, dst_v, rows_a, rows_b, sem_a, sem_b, acc_s, RPT):
    pairs = RPT - (RPT % 2)
    pltpu.async_copy(h_h.at[src_v.at[0]], rows_a, sem_a)

    @pl.loop(0, pairs, step=2)
    def _(j):
        pltpu.async_copy(h_h.at[src_v.at[j + 1]], rows_b, sem_b)
        pltpu.make_async_copy(h_h.at[src_v.at[j]], rows_a, sem_a).wait()
        pltpu.sync_copy(rows_a, acc_s.at[dst_v.at[j]], add=True)

        @pl.when(j + 2 < RPT)
        def _():
            pltpu.async_copy(h_h.at[src_v.at[j + 2]], rows_a, sem_a)

        pltpu.make_async_copy(h_h.at[src_v.at[j + 1]], rows_b, sem_b).wait()
        pltpu.sync_copy(rows_b, acc_s.at[dst_v.at[j + 1]], add=True)

    if RPT % 2:
        pltpu.make_async_copy(h_h.at[src_v.at[RPT - 1]], rows_a, sem_a).wait()
        pltpu.sync_copy(rows_a, acc_s.at[dst_v.at[RPT - 1]], add=True)


def _agg_dsplit_kernel(NP, DHALF, EP, C):
    RPT = EP // C // NS
    NPT = NP // NS
    ZCH = 128
    assert NPT % ZCH == 0
    mesh = plsc.VectorSubcoreMesh(core_axis_name="c", subcore_axis_name="s")

    @functools.partial(
        pl.kernel,
        out_type=jax.ShapeDtypeStruct((NCORES, NP, DHALF), jnp.float32),
        mesh=mesh,
        compiler_params=pltpu.CompilerParams(use_tc_tiling_on_sc=False),
        scratch_types=[
            pltpu.VMEM((RPT, C), jnp.int32),
            pltpu.VMEM((RPT, C), jnp.int32),
            pltpu.VMEM((C, DHALF), jnp.float32),
            pltpu.VMEM((C, DHALF), jnp.float32),
            pltpu.VMEM((ZCH, DHALF), jnp.float32),
            pltpu.VMEM_SHARED((NP, DHALF), jnp.float32),
            pltpu.SemaphoreType.DMA,
            pltpu.SemaphoreType.DMA,
        ],
    )
    def agg(ha_h, hb_h, src3, dst3, zeros_h, out_h,
            src_v, dst_v, rows_a, rows_b, buf_v, acc_s, sem_a, sem_b):
        c = lax.axis_index("c")
        s = lax.axis_index("s")
        pltpu.sync_copy(zeros_h, buf_v)

        @pl.loop(0, NPT // ZCH)
        def _(k):
            pltpu.sync_copy(buf_v, acc_s.at[pl.ds(s * NPT + k * ZCH, ZCH)])

        pltpu.sync_copy(src3.at[s], src_v)
        pltpu.sync_copy(dst3.at[s], dst_v)
        plsc.subcore_barrier()

        @pl.when(c == 0)
        def _():
            _edge_pipeline(ha_h, src_v, dst_v, rows_a, rows_b, sem_a, sem_b,
                           acc_s, RPT)

        @pl.when(c == 1)
        def _():
            _edge_pipeline(hb_h, src_v, dst_v, rows_a, rows_b, sem_a, sem_b,
                           acc_s, RPT)

        plsc.subcore_barrier()

        @pl.loop(0, NPT // ZCH)
        def _(k):
            pltpu.sync_copy(acc_s.at[pl.ds(s * NPT + k * ZCH, ZCH)], buf_v)
            pltpu.sync_copy(buf_v, out_h.at[c, pl.ds(s * NPT + k * ZCH, ZCH)])

    return agg


def _agg_esplit_kernel(NP, D, EP, C):
    RPT = EP // NCORES // C // NS
    NPT = NP // NS
    ZCH = min(128, 8192 // D)
    assert NPT % ZCH == 0
    mesh = plsc.VectorSubcoreMesh(core_axis_name="c", subcore_axis_name="s")

    @functools.partial(
        pl.kernel,
        out_type=jax.ShapeDtypeStruct((NCORES, NP, D), jnp.float32),
        mesh=mesh,
        compiler_params=pltpu.CompilerParams(use_tc_tiling_on_sc=False),
        scratch_types=[
            pltpu.VMEM((RPT, C), jnp.int32),
            pltpu.VMEM((RPT, C), jnp.int32),
            pltpu.VMEM((C, D), jnp.float32),
            pltpu.VMEM((C, D), jnp.float32),
            pltpu.VMEM((ZCH, D), jnp.float32),
            pltpu.VMEM_SHARED((NP, D), jnp.float32),
            pltpu.SemaphoreType.DMA,
            pltpu.SemaphoreType.DMA,
        ],
    )
    def agg(h_h, src3, dst3, zeros_h, out_h,
            src_v, dst_v, rows_a, rows_b, buf_v, acc_s, sem_a, sem_b):
        c = lax.axis_index("c")
        s = lax.axis_index("s")
        w = c * NS + s
        pltpu.sync_copy(zeros_h, buf_v)

        @pl.loop(0, NPT // ZCH)
        def _(k):
            pltpu.sync_copy(buf_v, acc_s.at[pl.ds(s * NPT + k * ZCH, ZCH)])

        pltpu.sync_copy(src3.at[w], src_v)
        pltpu.sync_copy(dst3.at[w], dst_v)
        plsc.subcore_barrier()

        _edge_pipeline(h_h, src_v, dst_v, rows_a, rows_b, sem_a, sem_b, acc_s, RPT)

        plsc.subcore_barrier()

        @pl.loop(0, NPT // ZCH)
        def _(k):
            pltpu.sync_copy(acc_s.at[pl.ds(s * NPT + k * ZCH, ZCH)], buf_v)
            pltpu.sync_copy(buf_v, out_h.at[c, pl.ds(s * NPT + k * ZCH, ZCH)])

    return agg


def _mm1(x, dego, W1h, B=512):
    N, DI = x.shape
    DH = W1h.shape[1]

    def body(x_ref, d_ref, w_ref, o_ref):
        nrm = lax.rsqrt(jnp.maximum(d_ref[...], 1.0))
        o_ref[...] = jnp.dot(
            x_ref[...] * nrm, w_ref[...], preferred_element_type=jnp.float32
        )

    return pl.pallas_call(
        body,
        grid=(pl.cdiv(N, B),),
        in_specs=[
            pl.BlockSpec((B, DI), lambda i: (i, 0)),
            pl.BlockSpec((B, 1), lambda i: (i, 0)),
            pl.BlockSpec((DI, DH), lambda i: (0, 0)),
        ],
        out_specs=pl.BlockSpec((B, DH), lambda i: (i, 0)),
        out_shape=jax.ShapeDtypeStruct((N, DH), jnp.float32),
    )(x, dego, W1h)


def _mm2(p, degi, dego, b1, W2, N, B=512):
    _, NP, DH = p.shape
    K = W2.shape[1]

    def body(p_ref, di_ref, do_ref, b_ref, w_ref, o_ref):
        agg = p_ref[0] + p_ref[1]
        ndst = lax.rsqrt(jnp.maximum(di_ref[...], 1.0))
        h = jnp.maximum(agg * ndst + b_ref[...], 0.0)
        nsrc = lax.rsqrt(jnp.maximum(do_ref[...], 1.0))
        o_ref[...] = jnp.dot(h * nsrc, w_ref[...], preferred_element_type=jnp.float32)

    return pl.pallas_call(
        body,
        grid=(pl.cdiv(N, B),),
        in_specs=[
            pl.BlockSpec((2, B, DH), lambda i: (0, i, 0)),
            pl.BlockSpec((B, 1), lambda i: (i, 0)),
            pl.BlockSpec((B, 1), lambda i: (i, 0)),
            pl.BlockSpec((1, DH), lambda i: (0, 0)),
            pl.BlockSpec((DH, K), lambda i: (0, 0)),
        ],
        out_specs=pl.BlockSpec((B, K), lambda i: (i, 0)),
        out_shape=jax.ShapeDtypeStruct((N, K), jnp.float32),
    )(p, degi, dego, b1, W2)


def _fin(p, degi, b2, N, B=512):
    _, NP, K = p.shape

    def body(p_ref, di_ref, b_ref, o_ref):
        agg = p_ref[0] + p_ref[1]
        ndst = lax.rsqrt(jnp.maximum(di_ref[...], 1.0))
        o_ref[...] = agg * ndst + b_ref[...]

    return pl.pallas_call(
        body,
        grid=(pl.cdiv(N, B),),
        in_specs=[
            pl.BlockSpec((2, B, K), lambda i: (0, i, 0)),
            pl.BlockSpec((B, 1), lambda i: (i, 0)),
            pl.BlockSpec((1, K), lambda i: (0, 0)),
        ],
        out_specs=pl.BlockSpec((B, K), lambda i: (i, 0)),
        out_shape=jax.ShapeDtypeStruct((N, K), jnp.float32),
    )(p, degi, b2)


def kernel(features, edge_index, W1, b1, W2, b2):
    N, DI = features.shape
    E = edge_index.shape[1]
    DH = W1.shape[1]
    K = W2.shape[1]
    NP = ((N + 2047) // 2048) * 2048
    CD = 80
    C1 = 80
    C2 = 80
    assert E % (NS * CD) == 0 and NP % (NS * 8) == 0
    assert DH % 2 == 0 and K % 2 == 0

    GR = NCORES * NS * C2
    EP = ((E + GR - 1) // GR) * GR
    srcp = jnp.concatenate([edge_index[0], jnp.zeros((EP - E,), jnp.int32)])
    dstp = jnp.concatenate([edge_index[1], jnp.full((EP - E,), NP - 1, jnp.int32)])

    ei4 = edge_index.reshape(2, NS, E // NS // CD, CD)
    src3w1 = srcp.reshape(NCORES * NS, EP // NCORES // NS // C1, C1)
    dst3w1 = dstp.reshape(NCORES * NS, EP // NCORES // NS // C1, C1)
    src3w = srcp.reshape(NCORES * NS, EP // NCORES // NS // C2, C2)
    dst3w = dstp.reshape(NCORES * NS, EP // NCORES // NS // C2, C2)

    dego, degi = _deg_kernel(NP, E, CD)(
        ei4, jnp.ones((CD,), jnp.float32), jnp.zeros((NP // NS,), jnp.float32)
    )
    dego = dego.reshape(NP, 1)
    degi = degi.reshape(NP, 1)

    h1 = _mm1(features, dego, W1)
    p1 = _agg_esplit_kernel(NP, DH, EP, C1)(
        h1, src3w1, dst3w1, jnp.zeros((min(128, 8192 // DH), DH), jnp.float32)
    )
    h2 = _mm2(p1, degi, dego, b1.reshape(1, DH), W2, N)
    p2 = _agg_esplit_kernel(NP, K, EP, C2)(
        h2, src3w, dst3w, jnp.zeros((min(128, 8192 // K), K), jnp.float32)
    )
    return _fin(p2, degi, b2.reshape(1, K), N)

# --- scband reference (transcript-rebuilt; emitter-appended) ---
"""Pipeline reference for scband-gcn-30992484008171 (READ-ONLY COPY).

The authoritative reference and input builder live on the scoring server;
editing this copy changes nothing except your own understanding.
"""

import jax, jax.numpy as jnp
import numpy as np

N = 10000
E = 320000
D_IN = 128
D_HID = 128
N_CLASSES = 40


def _graph_conv(h, W, b, src, dst, activation=None):
    # DGL GraphConv with norm='both': D^{-1/2} A D^{-1/2} H W + b
    ones = jnp.ones((src.shape[0],), dtype=h.dtype)
    deg_out = jax.ops.segment_sum(ones, src, num_segments=N)
    deg_in = jax.ops.segment_sum(ones, dst, num_segments=N)
    norm_src = jnp.clip(deg_out, 1.0, None) ** -0.5
    norm_dst = jnp.clip(deg_in, 1.0, None) ** -0.5
    h = h * norm_src[:, None]
    h = h @ W
    msg = h[src]
    agg = jax.ops.segment_sum(msg, dst, num_segments=N)
    agg = agg * norm_dst[:, None]
    out = agg + b
    if activation is not None:
        out = activation(out)
    return out


def setup_inputs(seed: int = 0) -> dict:
    key = jax.random.key(seed)
    k1, k2, k3, k4, k5, k6 = jax.random.split(key, 6)
    features = jax.random.normal(k1, (N, D_IN), dtype=jnp.float32)
    edge_index = jax.random.randint(k2, (2, E), 0, N, dtype=jnp.int32)
    W1 = jax.random.normal(k3, (D_IN, D_HID), dtype=jnp.float32) * (1.0 / np.sqrt(D_IN))
    b1 = jnp.zeros((D_HID,), dtype=jnp.float32)
    W2 = jax.random.normal(k4, (D_HID, N_CLASSES), dtype=jnp.float32) * (1.0 / np.sqrt(D_HID))
    b2 = jnp.zeros((N_CLASSES,), dtype=jnp.float32)
    return {"features": features, "edge_index": edge_index, "W1": W1, "b1": b1, "W2": W2, "b2": b2}


def reference(features, edge_index, W1, b1, W2, b2):
    src = edge_index[0]
    dst = edge_index[1]
    h = _graph_conv(features, W1, b1, src, dst, activation=jax.nn.relu)
    # dropout in eval mode -> identity
    h = _graph_conv(h, W2, b2, src, dst, activation=None)
    return h

if __name__ == "__main__":
    import jax
    _d = setup_inputs()
    print(jax.jit(kernel)(*tuple(_d.values())))

</pallas_src>

<mosaic_0001>
#map = affine_map<(d0, d1) -> (0, 0)>
#map1 = affine_map<(d0, d1) -> (0, 0, 0)>
module attributes {stable_mosaic.version = 14 : i64} {
  func.func @agg(%arg0: i32, %arg1: i32, %arg2: memref<10000x40xf32, #tpu.memory_space<hbm>>, %arg3: memref<32x125x80xi32, #tpu.memory_space<hbm>>, %arg4: memref<32x125x80xi32, #tpu.memory_space<hbm>>, %arg5: memref<128x40xf32, #tpu.memory_space<hbm>>, %arg6: memref<2x10240x40xf32, #tpu.memory_space<hbm>>, %arg7: memref<125x80xi32, #tpu.memory_space<vmem>>, %arg8: memref<125x80xi32, #tpu.memory_space<vmem>>, %arg9: memref<80x40xf32, #tpu.memory_space<vmem>>, %arg10: memref<80x40xf32, #tpu.memory_space<vmem>>, %arg11: memref<128x40xf32, #tpu.memory_space<vmem>>, %arg12: memref<10240x40xf32, #tpu.memory_space<vmem_shared>>, %arg13: memref<!tpu.dma_semaphore, #tpu.memory_space<semaphore_mem>>, %arg14: memref<!tpu.dma_semaphore, #tpu.memory_space<semaphore_mem>>) attributes {dimension_semantics = [#tpu.dimension_semantics<core_parallel>, #tpu.dimension_semantics<subcore_parallel>], iteration_bounds = array<i64: 2, 16>, scalar_prefetch = 0 : i64, scratch_operands = 8 : i64, tpu.core_type = #tpu.core_type<sc_vector_subcore>, window_params = [{transform_indices = #map}, {transform_indices = #map1}, {transform_indices = #map1}, {transform_indices = #map}, {transform_indices = #map1}]} {
    %mul3A = arith.constant 16 : i32
    %mul3A_0 = arith.muli %arg0, %mul3A : i32
    %add3A = arith.addi %mul3A_0, %arg1 : i32
    "tpu.region"() ({
      %run_scoped3A_28 = tpu.sem_alloc : memref<!tpu.dma_semaphore, #tpu.memory_space<semaphore_mem>>
      tpu.enqueue_dma source(%arg5 : memref<128x40xf32, #tpu.memory_space<hbm>>) target(%arg11 : memref<128x40xf32, #tpu.memory_space<vmem>>) target_semaphore(%run_scoped3A_28 : memref<!tpu.dma_semaphore, #tpu.memory_space<semaphore_mem>>)
      tpu.wait_dma2 semaphore(%run_scoped3A_28 : memref<!tpu.dma_semaphore, #tpu.memory_space<semaphore_mem>>) src(%arg5 : memref<128x40xf32, #tpu.memory_space<hbm>>) dst(%arg11 : memref<128x40xf32, #tpu.memory_space<vmem>>)
      tpu.yield
    }) : () -> ()
    %scan3A = arith.constant 0 : i32
    %scan3A_1 = arith.constant 5 : i32
    %scan3A_2 = arith.addi %scan3A, %scan3A_1 : i32
    %scan3A_3 = arith.constant 1 : i32
    scf.for %scan3A_28 = %scan3A to %scan3A_2 step %scan3A_3  : i32 {
      %mul3A_29 = arith.constant 1 : i32
      %mul3A_30 = arith.muli %scan3A_28, %mul3A_29 : i32
      %add3A_31 = arith.constant 0 : i32
      %add3A_32 = arith.addi %add3A_31, %mul3A_30 : i32
      %mul3A_33 = arith.constant 640 : i32
      %mul3A_34 = arith.muli %arg1, %mul3A_33 : i32
      %mul3A_35 = arith.constant 128 : i32
      %mul3A_36 = arith.muli %add3A_32, %mul3A_35 : i32
      %add3A_37 = arith.addi %mul3A_34, %mul3A_36 : i32
      "tpu.region"() ({
        %run_scoped3A_38 = tpu.sem_alloc : memref<!tpu.dma_semaphore, #tpu.memory_space<semaphore_mem>>
        %dma_start3A_39 = arith.constant 0 : i32
        %dma_start3A_40 = tpu.memref_slice %arg12[%add3A_37, %dma_start3A_39] : memref<10240x40xf32, #tpu.memory_space<vmem_shared>> -> memref<128x40xf32, #tpu.memory_space<vmem_shared>>
        %dma_start3A_41 = arith.constant 0 : i32
        %dma_start3A_42 = tpu.memref_slice %arg12[%add3A_37, %dma_start3A_41] : memref<10240x40xf32, #tpu.memory_space<vmem_shared>> -> memref<128x40xf32, #tpu.memory_space<vmem_shared>>
        tpu.enqueue_dma source(%arg11 : memref<128x40xf32, #tpu.memory_space<vmem>>) target(%dma_start3A_42 : memref<128x40xf32, #tpu.memory_space<vmem_shared>>) target_semaphore(%run_scoped3A_38 : memref<!tpu.dma_semaphore, #tpu.memory_space<semaphore_mem>>)
        %dma_wait3A_43 = arith.constant 0 : i32
        %dma_wait3A_44 = tpu.memref_slice %arg12[%add3A_37, %dma_wait3A_43] : memref<10240x40xf32, #tpu.memory_space<vmem_shared>> -> memref<128x40xf32, #tpu.memory_space<vmem_shared>>
        %dma_wait3A_45 = arith.constant 0 : i32
        %dma_wait3A_46 = tpu.memref_slice %arg12[%add3A_37, %dma_wait3A_45] : memref<10240x40xf32, #tpu.memory_space<vmem_shared>> -> memref<128x40xf32, #tpu.memory_space<vmem_shared>>
        tpu.wait_dma2 semaphore(%run_scoped3A_38 : memref<!tpu.dma_semaphore, #tpu.memory_space<semaphore_mem>>) src(%arg11 : memref<128x40xf32, #tpu.memory_space<vmem>>) dst(%dma_wait3A_46 : memref<128x40xf32, #tpu.memory_space<vmem_shared>>)
        tpu.yield
      }) : () -> ()
    }
    %scan3A_4 = arith.constant 5 : i32
    "tpu.region"() ({
      %run_scoped3A_28 = tpu.sem_alloc : memref<!tpu.dma_semaphore, #tpu.memory_space<semaphore_mem>>
      %dma_start3A_29 = arith.constant 0 : i32
      %dma_start3A_30 = arith.constant 0 : i32
      %dma_start3A_31 = tpu.memref_slice %arg3[%add3A, %dma_start3A_29, %dma_start3A_30] : memref<32x125x80xi32, #tpu.memory_space<hbm>> -> memref<1x125x80xi32, #tpu.memory_space<hbm>>
      %dma_start3A_32 = tpu.memref_squeeze %dma_start3A_31 : memref<1x125x80xi32, #tpu.memory_space<hbm>> -> memref<125x80xi32, #tpu.memory_space<hbm>>
      %dma_start3A_33 = arith.constant 0 : i32
      %dma_start3A_34 = arith.constant 0 : i32
      %dma_start3A_35 = tpu.memref_slice %arg3[%add3A, %dma_start3A_33, %dma_start3A_34] : memref<32x125x80xi32, #tpu.memory_space<hbm>> -> memref<1x125x80xi32, #tpu.memory_space<hbm>>
      %dma_start3A_36 = tpu.memref_squeeze %dma_start3A_35 : memref<1x125x80xi32, #tpu.memory_space<hbm>> -> memref<125x80xi32, #tpu.memory_space<hbm>>
      tpu.enqueue_dma source(%dma_start3A_36 : memref<125x80xi32, #tpu.memory_space<hbm>>) target(%arg7 : memref<125x80xi32, #tpu.memory_space<vmem>>) target_semaphore(%run_scoped3A_28 : memref<!tpu.dma_semaphore, #tpu.memory_space<semaphore_mem>>)
      %dma_wait3A_37 = arith.constant 0 : i32
      %dma_wait3A_38 = arith.constant 0 : i32
      %dma_wait3A_39 = tpu.memref_slice %arg3[%add3A, %dma_wait3A_37, %dma_wait3A_38] : memref<32x125x80xi32, #tpu.memory_space<hbm>> -> memref<1x125x80xi32, #tpu.memory_space<hbm>>
      %dma_wait3A_40 = tpu.memref_squeeze %dma_wait3A_39 : memref<1x125x80xi32, #tpu.memory_space<hbm>> -> memref<125x80xi32, #tpu.memory_space<hbm>>
      %dma_wait3A_41 = arith.constant 0 : i32
      %dma_wait3A_42 = arith.constant 0 : i32
      %dma_wait3A_43 = tpu.memref_slice %arg3[%add3A, %dma_wait3A_41, %dma_wait3A_42] : memref<32x125x80xi32, #tpu.memory_space<hbm>> -> memref<1x125x80xi32, #tpu.memory_space<hbm>>
      %dma_wait3A_44 = tpu.memref_squeeze %dma_wait3A_43 : memref<1x125x80xi32, #tpu.memory_space<hbm>> -> memref<125x80xi32, #tpu.memory_space<hbm>>
      tpu.wait_dma2 semaphore(%run_scoped3A_28 : memref<!tpu.dma_semaphore, #tpu.memory_space<semaphore_mem>>) src(%dma_wait3A_44 : memref<125x80xi32, #tpu.memory_space<hbm>>) dst(%arg7 : memref<125x80xi32, #tpu.memory_space<vmem>>)
      tpu.yield
    }) : () -> ()
    "tpu.region"() ({
      %run_scoped3A_28 = tpu.sem_alloc : memref<!tpu.dma_semaphore, #tpu.memory_space<semaphore_mem>>
      %dma_start3A_29 = arith.constant 0 : i32
      %dma_start3A_30 = arith.constant 0 : i32
      %dma_start3A_31 = tpu.memref_slice %arg4[%add3A, %dma_start3A_29, %dma_start3A_30] : memref<32x125x80xi32, #tpu.memory_space<hbm>> -> memref<1x125x80xi32, #tpu.memory_space<hbm>>
      %dma_start3A_32 = tpu.memref_squeeze %dma_start3A_31 : memref<1x125x80xi32, #tpu.memory_space<hbm>> -> memref<125x80xi32, #tpu.memory_space<hbm>>
      %dma_start3A_33 = arith.constant 0 : i32
      %dma_start3A_34 = arith.constant 0 : i32
      %dma_start3A_35 = tpu.memref_slice %arg4[%add3A, %dma_start3A_33, %dma_start3A_34] : memref<32x125x80xi32, #tpu.memory_space<hbm>> -> memref<1x125x80xi32, #tpu.memory_space<hbm>>
      %dma_start3A_36 = tpu.memref_squeeze %dma_start3A_35 : memref<1x125x80xi32, #tpu.memory_space<hbm>> -> memref<125x80xi32, #tpu.memory_space<hbm>>
      tpu.enqueue_dma source(%dma_start3A_36 : memref<125x80xi32, #tpu.memory_space<hbm>>) target(%arg8 : memref<125x80xi32, #tpu.memory_space<vmem>>) target_semaphore(%run_scoped3A_28 : memref<!tpu.dma_semaphore, #tpu.memory_space<semaphore_mem>>)
      %dma_wait3A_37 = arith.constant 0 : i32
      %dma_wait3A_38 = arith.constant 0 : i32
      %dma_wait3A_39 = tpu.memref_slice %arg4[%add3A, %dma_wait3A_37, %dma_wait3A_38] : memref<32x125x80xi32, #tpu.memory_space<hbm>> -> memref<1x125x80xi32, #tpu.memory_space<hbm>>
      %dma_wait3A_40 = tpu.memref_squeeze %dma_wait3A_39 : memref<1x125x80xi32, #tpu.memory_space<hbm>> -> memref<125x80xi32, #tpu.memory_space<hbm>>
      %dma_wait3A_41 = arith.constant 0 : i32
      %dma_wait3A_42 = arith.constant 0 : i32
      %dma_wait3A_43 = tpu.memref_slice %arg4[%add3A, %dma_wait3A_41, %dma_wait3A_42] : memref<32x125x80xi32, #tpu.memory_space<hbm>> -> memref<1x125x80xi32, #tpu.memory_space<hbm>>
      %dma_wait3A_44 = tpu.memref_squeeze %dma_wait3A_43 : memref<1x125x80xi32, #tpu.memory_space<hbm>> -> memref<125x80xi32, #tpu.memory_space<hbm>>
      tpu.wait_dma2 semaphore(%run_scoped3A_28 : memref<!tpu.dma_semaphore, #tpu.memory_space<semaphore_mem>>) src(%dma_wait3A_44 : memref<125x80xi32, #tpu.memory_space<hbm>>) dst(%arg8 : memref<125x80xi32, #tpu.memory_space<vmem>>)
      tpu.yield
    }) : () -> ()
    %barrier3A = arith.constant 0 : index
    tpu.barrier barrier_id(%barrier3A)
    %dma_start3A = arith.constant 0 : i32
    %dma_start3A_5 = arith.constant 0 : i32
    %dma_start3A_6 = tpu.memref_slice %arg7[%dma_start3A, %dma_start3A_5] : memref<125x80xi32, #tpu.memory_space<vmem>> -> memref<1x80xi32, #tpu.memory_space<vmem>>
    %dma_start3A_7 = tpu.memref_squeeze %dma_start3A_6 : memref<1x80xi32, #tpu.memory_space<vmem>> -> memref<80xi32, #tpu.memory_space<vmem>>
    %dma_start3A_8 = arith.constant 0 : i32
    %dma_start3A_9 = arith.constant 0 : i32
    %dma_start3A_10 = tpu.memref_slice %arg2[%dma_start3A_8, %dma_start3A_9] : memref<10000x40xf32, #tpu.memory_space<hbm>> -> memref<10000x40xf32, #tpu.memory_space<hbm>>
    tpu.enqueue_indirect_dma source(%dma_start3A_10 : memref<10000x40xf32, #tpu.memory_space<hbm>>) target(%arg9 : memref<80x40xf32, #tpu.memory_space<vmem>>) offsets(%dma_start3A_7 : memref<80xi32, #tpu.memory_space<vmem>>) semaphore(%arg13 : memref<!tpu.dma_semaphore, #tpu.memory_space<semaphore_mem>>)
    %scan3A_11 = arith.constant 0 : i32
    %scan3A_12 = arith.constant 62 : i32
    %scan3A_13 = arith.addi %scan3A_11, %scan3A_12 : i32
    %scan3A_14 = arith.constant 1 : i32
    scf.for %scan3A_28 = %scan3A_11 to %scan3A_13 step %scan3A_14  : i32 {
      %mul3A_29 = arith.constant 2 : i32
      %mul3A_30 = arith.muli %scan3A_28, %mul3A_29 : i32
      %add3A_31 = arith.constant 0 : i32
      %add3A_32 = arith.addi %add3A_31, %mul3A_30 : i32
      %add3A_33 = arith.constant 1 : i32
      %add3A_34 = arith.addi %add3A_32, %add3A_33 : i32
      %dma_start3A_35 = arith.constant 0 : i32
      %dma_start3A_36 = tpu.memref_slice %arg7[%add3A_34, %dma_start3A_35] : memref<125x80xi32, #tpu.memory_space<vmem>> -> memref<1x80xi32, #tpu.memory_space<vmem>>
      %dma_start3A_37 = tpu.memref_squeeze %dma_start3A_36 : memref<1x80xi32, #tpu.memory_space<vmem>> -> memref<80xi32, #tpu.memory_space<vmem>>
      %dma_start3A_38 = arith.constant 0 : i32
      %dma_start3A_39 = arith.constant 0 : i32
      %dma_start3A_40 = tpu.memref_slice %arg2[%dma_start3A_38, %dma_start3A_39] : memref<10000x40xf32, #tpu.memory_space<hbm>> -> memref<10000x40xf32, #tpu.memory_space<hbm>>
      tpu.enqueue_indirect_dma source(%dma_start3A_40 : memref<10000x40xf32, #tpu.memory_space<hbm>>) target(%arg10 : memref<80x40xf32, #tpu.memory_space<vmem>>) offsets(%dma_start3A_37 : memref<80xi32, #tpu.memory_space<vmem>>) semaphore(%arg14 : memref<!tpu.dma_semaphore, #tpu.memory_space<semaphore_mem>>)
      %dma_wait3A_41 = arith.constant 0 : i32
      %dma_wait3A_42 = tpu.memref_slice %arg7[%add3A_32, %dma_wait3A_41] : memref<125x80xi32, #tpu.memory_space<vmem>> -> memref<1x80xi32, #tpu.memory_space<vmem>>
      %dma_wait3A_43 = tpu.memref_squeeze %dma_wait3A_42 : memref<1x80xi32, #tpu.memory_space<vmem>> -> memref<80xi32, #tpu.memory_space<vmem>>
      %dma_wait3A_44 = arith.constant 0 : i32
      %dma_wait3A_45 = arith.constant 0 : i32
      %dma_wait3A_46 = tpu.memref_slice %arg2[%dma_wait3A_44, %dma_wait3A_45] : memref<10000x40xf32, #tpu.memory_space<hbm>> -> memref<10000x40xf32, #tpu.memory_space<hbm>>
      tpu.wait_indirect_dma semaphore(%arg13 : memref<!tpu.dma_semaphore, #tpu.memory_space<semaphore_mem>>) src(%dma_wait3A_46 : memref<10000x40xf32, #tpu.memory_space<hbm>>) dst(%arg9 : memref<80x40xf32, #tpu.memory_space<vmem>>)
      "tpu.region"() ({
        %run_scoped3A_61 = tpu.sem_alloc : memref<!tpu.dma_semaphore, #tpu.memory_space<semaphore_mem>>
        %dma_start3A_62 = arith.constant 0 : i32
        %dma_start3A_63 = tpu.memref_slice %arg8[%add3A_32, %dma_start3A_62] : memref<125x80xi32, #tpu.memory_space<vmem>> -> memref<1x80xi32, #tpu.memory_space<vmem>>
        %dma_start3A_64 = tpu.memref_squeeze %dma_start3A_63 : memref<1x80xi32, #tpu.memory_space<vmem>> -> memref<80xi32, #tpu.memory_space<vmem>>
        %dma_start3A_65 = arith.constant 0 : i32
        %dma_start3A_66 = arith.constant 0 : i32
        %dma_start3A_67 = tpu.memref_slice %arg12[%dma_start3A_65, %dma_start3A_66] : memref<10240x40xf32, #tpu.memory_space<vmem_shared>> -> memref<10240x40xf32, #tpu.memory_space<vmem_shared>>
        tpu.enqueue_indirect_dma source(%arg9 : memref<80x40xf32, #tpu.memory_space<vmem>>) target(%dma_start3A_67 : memref<10240x40xf32, #tpu.memory_space<vmem_shared>>) offsets(%dma_start3A_64 : memref<80xi32, #tpu.memory_space<vmem>>) semaphore(%run_scoped3A_61 : memref<!tpu.dma_semaphore, #tpu.memory_space<semaphore_mem>>) {add = true}
        %dma_wait3A_68 = arith.constant 0 : i32
        %dma_wait3A_69 = tpu.memref_slice %arg8[%add3A_32, %dma_wait3A_68] : memref<125x80xi32, #tpu.memory_space<vmem>> -> memref<1x80xi32, #tpu.memory_space<vmem>>
        %dma_wait3A_70 = tpu.memref_squeeze %dma_wait3A_69 : memref<1x80xi32, #tpu.memory_space<vmem>> -> memref<80xi32, #tpu.memory_space<vmem>>
        %dma_wait3A_71 = arith.constant 0 : i32
        %dma_wait3A_72 = arith.constant 0 : i32
        %dma_wait3A_73 = tpu.memref_slice %arg12[%dma_wait3A_71, %dma_wait3A_72] : memref<10240x40xf32, #tpu.memory_space<vmem_shared>> -> memref<10240x40xf32, #tpu.memory_space<vmem_shared>>
        tpu.wait_indirect_dma semaphore(%run_scoped3A_61 : memref<!tpu.dma_semaphore, #tpu.memory_space<semaphore_mem>>) src(%arg9 : memref<80x40xf32, #tpu.memory_space<vmem>>) dst(%dma_wait3A_73 : memref<10240x40xf32, #tpu.memory_space<vmem_shared>>)
        tpu.yield
      }) : () -> ()
      %add3A_47 = arith.constant 2 : i32
      %add3A_48 = arith.addi %add3A_32, %add3A_47 : i32
      %lt3A = arith.constant 125 : i32
      %lt3A_49 = arith.cmpi slt, %add3A_48, %lt3A : i32
      %convert_element_type3A = arith.extui %lt3A_49 : i1 to i32
      %cond3A = arith.constant 0 : i32
      %cond3A_50 = arith.cmpi ne, %convert_element_type3A, %cond3A : i32
      scf.if %cond3A_50 {
        %add3A_61 = arith.constant 2 : i32
        %add3A_62 = arith.addi %add3A_32, %add3A_61 : i32
        %dma_start3A_63 = arith.constant 0 : i32
        %dma_start3A_64 = tpu.memref_slice %arg7[%add3A_62, %dma_start3A_63] : memref<125x80xi32, #tpu.memory_space<vmem>> -> memref<1x80xi32, #tpu.memory_space<vmem>>
        %dma_start3A_65 = tpu.memref_squeeze %dma_start3A_64 : memref<1x80xi32, #tpu.memory_space<vmem>> -> memref<80xi32, #tpu.memory_space<vmem>>
        %dma_start3A_66 = arith.constant 0 : i32
        %dma_start3A_67 = arith.constant 0 : i32
        %dma_start3A_68 = tpu.memref_slice %arg2[%dma_start3A_66, %dma_start3A_67] : memref<10000x40xf32, #tpu.memory_space<hbm>> -> memref<10000x40xf32, #tpu.memory_space<hbm>>
        tpu.enqueue_indirect_dma source(%dma_start3A_68 : memref<10000x40xf32, #tpu.memory_space<hbm>>) target(%arg9 : memref<80x40xf32, #tpu.memory_space<vmem>>) offsets(%dma_start3A_65 : memref<80xi32, #tpu.memory_space<vmem>>) semaphore(%arg13 : memref<!tpu.dma_semaphore, #tpu.memory_space<semaphore_mem>>)
      } else {
      }
      %add3A_51 = arith.constant 1 : i32
      %add3A_52 = arith.addi %add3A_32, %add3A_51 : i32
      %dma_wait3A_53 = arith.constant 0 : i32
      %dma_wait3A_54 = tpu.memref_slice %arg7[%add3A_52, %dma_wait3A_53] : memref<125x80xi32, #tpu.memory_space<vmem>> -> memref<1x80xi32, #tpu.memory_space<vmem>>
      %dma_wait3A_55 = tpu.memref_squeeze %dma_wait3A_54 : memref<1x80xi32, #tpu.memory_space<vmem>> -> memref<80xi32, #tpu.memory_space<vmem>>
      %dma_wait3A_56 = arith.constant 0 : i32
      %dma_wait3A_57 = arith.constant 0 : i32
      %dma_wait3A_58 = tpu.memref_slice %arg2[%dma_wait3A_56, %dma_wait3A_57] : memref<10000x40xf32, #tpu.memory_space<hbm>> -> memref<10000x40xf32, #tpu.memory_space<hbm>>
      tpu.wait_indirect_dma semaphore(%arg14 : memref<!tpu.dma_semaphore, #tpu.memory_space<semaphore_mem>>) src(%dma_wait3A_58 : memref<10000x40xf32, #tpu.memory_space<hbm>>) dst(%arg10 : memref<80x40xf32, #tpu.memory_space<vmem>>)
      %add3A_59 = arith.constant 1 : i32
      %add3A_60 = arith.addi %add3A_32, %add3A_59 : i32
      "tpu.region"() ({
        %run_scoped3A_61 = tpu.sem_alloc : memref<!tpu.dma_semaphore, #tpu.memory_space<semaphore_mem>>
        %dma_start3A_62 = arith.constant 0 : i32
        %dma_start3A_63 = tpu.memref_slice %arg8[%add3A_60, %dma_start3A_62] : memref<125x80xi32, #tpu.memory_space<vmem>> -> memref<1x80xi32, #tpu.memory_space<vmem>>
        %dma_start3A_64 = tpu.memref_squeeze %dma_start3A_63 : memref<1x80xi32, #tpu.memory_space<vmem>> -> memref<80xi32, #tpu.memory_space<vmem>>
        %dma_start3A_65 = arith.constant 0 : i32
        %dma_start3A_66 = arith.constant 0 : i32
        %dma_start3A_67 = tpu.memref_slice %arg12[%dma_start3A_65, %dma_start3A_66] : memref<10240x40xf32, #tpu.memory_space<vmem_shared>> -> memref<10240x40xf32, #tpu.memory_space<vmem_shared>>
        tpu.enqueue_indirect_dma source(%arg10 : memref<80x40xf32, #tpu.memory_space<vmem>>) target(%dma_start3A_67 : memref<10240x40xf32, #tpu.memory_space<vmem_shared>>) offsets(%dma_start3A_64 : memref<80xi32, #tpu.memory_space<vmem>>) semaphore(%run_scoped3A_61 : memref<!tpu.dma_semaphore, #tpu.memory_space<semaphore_mem>>) {add = true}
        %dma_wait3A_68 = arith.constant 0 : i32
        %dma_wait3A_69 = tpu.memref_slice %arg8[%add3A_60, %dma_wait3A_68] : memref<125x80xi32, #tpu.memory_space<vmem>> -> memref<1x80xi32, #tpu.memory_space<vmem>>
        %dma_wait3A_70 = tpu.memref_squeeze %dma_wait3A_69 : memref<1x80xi32, #tpu.memory_space<vmem>> -> memref<80xi32, #tpu.memory_space<vmem>>
        %dma_wait3A_71 = arith.constant 0 : i32
        %dma_wait3A_72 = arith.constant 0 : i32
        %dma_wait3A_73 = tpu.memref_slice %arg12[%dma_wait3A_71, %dma_wait3A_72] : memref<10240x40xf32, #tpu.memory_space<vmem_shared>> -> memref<10240x40xf32, #tpu.memory_space<vmem_shared>>
        tpu.wait_indirect_dma semaphore(%run_scoped3A_61 : memref<!tpu.dma_semaphore, #tpu.memory_space<semaphore_mem>>) src(%arg10 : memref<80x40xf32, #tpu.memory_space<vmem>>) dst(%dma_wait3A_73 : memref<10240x40xf32, #tpu.memory_space<vmem_shared>>)
        tpu.yield
      }) : () -> ()
    }
    %scan3A_15 = arith.constant 62 : i32
    %dma_wait3A = arith.constant 124 : i32
    %dma_wait3A_16 = arith.constant 0 : i32
    %dma_wait3A_17 = tpu.memref_slice %arg7[%dma_wait3A, %dma_wait3A_16] : memref<125x80xi32, #tpu.memory_space<vmem>> -> memref<1x80xi32, #tpu.memory_space<vmem>>
    %dma_wait3A_18 = tpu.memref_squeeze %dma_wait3A_17 : memref<1x80xi32, #tpu.memory_space<vmem>> -> memref<80xi32, #tpu.memory_space<vmem>>
    %dma_wait3A_19 = arith.constant 0 : i32
    %dma_wait3A_20 = arith.constant 0 : i32
    %dma_wait3A_21 = tpu.memref_slice %arg2[%dma_wait3A_19, %dma_wait3A_20] : memref<10000x40xf32, #tpu.memory_space<hbm>> -> memref<10000x40xf32, #tpu.memory_space<hbm>>
    tpu.wait_indirect_dma semaphore(%arg13 : memref<!tpu.dma_semaphore, #tpu.memory_space<semaphore_mem>>) src(%dma_wait3A_21 : memref<10000x40xf32, #tpu.memory_space<hbm>>) dst(%arg9 : memref<80x40xf32, #tpu.memory_space<vmem>>)
    %run_scoped3A = arith.constant 124 : i32
    "tpu.region"() ({
      %run_scoped3A_28 = tpu.sem_alloc : memref<!tpu.dma_semaphore, #tpu.memory_space<semaphore_mem>>
      %dma_start3A_29 = arith.constant 0 : i32
      %dma_start3A_30 = tpu.memref_slice %arg8[%run_scoped3A, %dma_start3A_29] : memref<125x80xi32, #tpu.memory_space<vmem>> -> memref<1x80xi32, #tpu.memory_space<vmem>>
      %dma_start3A_31 = tpu.memref_squeeze %dma_start3A_30 : memref<1x80xi32, #tpu.memory_space<vmem>> -> memref<80xi32, #tpu.memory_space<vmem>>
      %dma_start3A_32 = arith.constant 0 : i32
      %dma_start3A_33 = arith.constant 0 : i32
      %dma_start3A_34 = tpu.memref_slice %arg12[%dma_start3A_32, %dma_start3A_33] : memref<10240x40xf32, #tpu.memory_space<vmem_shared>> -> memref<10240x40xf32, #tpu.memory_space<vmem_shared>>
      tpu.enqueue_indirect_dma source(%arg9 : memref<80x40xf32, #tpu.memory_space<vmem>>) target(%dma_start3A_34 : memref<10240x40xf32, #tpu.memory_space<vmem_shared>>) offsets(%dma_start3A_31 : memref<80xi32, #tpu.memory_space<vmem>>) semaphore(%run_scoped3A_28 : memref<!tpu.dma_semaphore, #tpu.memory_space<semaphore_mem>>) {add = true}
      %dma_wait3A_35 = arith.constant 0 : i32
      %dma_wait3A_36 = tpu.memref_slice %arg8[%run_scoped3A, %dma_wait3A_35] : memref<125x80xi32, #tpu.memory_space<vmem>> -> memref<1x80xi32, #tpu.memory_space<vmem>>
      %dma_wait3A_37 = tpu.memref_squeeze %dma_wait3A_36 : memref<1x80xi32, #tpu.memory_space<vmem>> -> memref<80xi32, #tpu.memory_space<vmem>>
      %dma_wait3A_38 = arith.constant 0 : i32
      %dma_wait3A_39 = arith.constant 0 : i32
      %dma_wait3A_40 = tpu.memref_slice %arg12[%dma_wait3A_38, %dma_wait3A_39] : memref<10240x40xf32, #tpu.memory_space<vmem_shared>> -> memref<10240x40xf32, #tpu.memory_space<vmem_shared>>
      tpu.wait_indirect_dma semaphore(%run_scoped3A_28 : memref<!tpu.dma_semaphore, #tpu.memory_space<semaphore_mem>>) src(%arg9 : memref<80x40xf32, #tpu.memory_space<vmem>>) dst(%dma_wait3A_40 : memref<10240x40xf32, #tpu.memory_space<vmem_shared>>)
      tpu.yield
    }) : () -> ()
    %barrier3A_22 = arith.constant 0 : index
    tpu.barrier barrier_id(%barrier3A_22)
    %scan3A_23 = arith.constant 0 : i32
    %scan3A_24 = arith.constant 5 : i32
    %scan3A_25 = arith.addi %scan3A_23, %scan3A_24 : i32
    %scan3A_26 = arith.constant 1 : i32
    scf.for %scan3A_28 = %scan3A_23 to %scan3A_25 step %scan3A_26  : i32 {
      %mul3A_29 = arith.constant 1 : i32
      %mul3A_30 = arith.muli %scan3A_28, %mul3A_29 : i32
      %add3A_31 = arith.constant 0 : i32
      %add3A_32 = arith.addi %add3A_31, %mul3A_30 : i32
      %mul3A_33 = arith.constant 640 : i32
      %mul3A_34 = arith.muli %arg1, %mul3A_33 : i32
      %mul3A_35 = arith.constant 128 : i32
      %mul3A_36 = arith.muli %add3A_32, %mul3A_35 : i32
      %add3A_37 = arith.addi %mul3A_34, %mul3A_36 : i32
      "tpu.region"() ({
        %run_scoped3A_43 = tpu.sem_alloc : memref<!tpu.dma_semaphore, #tpu.memory_space<semaphore_mem>>
        %dma_start3A_44 = arith.constant 0 : i32
        %dma_start3A_45 = tpu.memref_slice %arg12[%add3A_37, %dma_start3A_44] : memref<10240x40xf32, #tpu.memory_space<vmem_shared>> -> memref<128x40xf32, #tpu.memory_space<vmem_shared>>
        %dma_start3A_46 = arith.constant 0 : i32
        %dma_start3A_47 = tpu.memref_slice %arg12[%add3A_37, %dma_start3A_46] : memref<10240x40xf32, #tpu.memory_space<vmem_shared>> -> memref<128x40xf32, #tpu.memory_space<vmem_shared>>
        tpu.enqueue_dma source(%dma_start3A_47 : memref<128x40xf32, #tpu.memory_space<vmem_shared>>) target(%arg11 : memref<128x40xf32, #tpu.memory_space<vmem>>) target_semaphore(%run_scoped3A_43 : memref<!tpu.dma_semaphore, #tpu.memory_space<semaphore_mem>>)
        %dma_wait3A_48 = arith.constant 0 : i32
        %dma_wait3A_49 = tpu.memref_slice %arg12[%add3A_37, %dma_wait3A_48] : memref<10240x40xf32, #tpu.memory_space<vmem_shared>> -> memref<128x40xf32, #tpu.memory_space<vmem_shared>>
        %dma_wait3A_50 = arith.constant 0 : i32
        %dma_wait3A_51 = tpu.memref_slice %arg12[%add3A_37, %dma_wait3A_50] : memref<10240x40xf32, #tpu.memory_space<vmem_shared>> -> memref<128x40xf32, #tpu.memory_space<vmem_shared>>
        tpu.wait_dma2 semaphore(%run_scoped3A_43 : memref<!tpu.dma_semaphore, #tpu.memory_space<semaphore_mem>>) src(%dma_wait3A_51 : memref<128x40xf32, #tpu.memory_space<vmem_shared>>) dst(%arg11 : memref<128x40xf32, #tpu.memory_space<vmem>>)
        tpu.yield
      }) : () -> ()
      %mul3A_38 = arith.constant 640 : i32
      %mul3A_39 = arith.muli %arg1, %mul3A_38 : i32
      %mul3A_40 = arith.constant 128 : i32
      %mul3A_41 = arith.muli %add3A_32, %mul3A_40 : i32
      %add3A_42 = arith.addi %mul3A_39, %mul3A_41 : i32
      "tpu.region"() ({
        %run_scoped3A_43 = tpu.sem_alloc : memref<!tpu.dma_semaphore, #tpu.memory_space<semaphore_mem>>
        %dma_start3A_44 = arith.constant 0 : i32
        %dma_start3A_45 = tpu.memref_slice %arg6[%arg0, %add3A_42, %dma_start3A_44] : memref<2x10240x40xf32, #tpu.memory_space<hbm>> -> memref<1x128x40xf32, #tpu.memory_space<hbm>>
        %dma_start3A_46 = tpu.memref_squeeze %dma_start3A_45 : memref<1x128x40xf32, #tpu.memory_space<hbm>> -> memref<128x40xf32, #tpu.memory_space<hbm>>
        %dma_start3A_47 = arith.constant 0 : i32
        %dma_start3A_48 = tpu.memref_slice %arg6[%arg0, %add3A_42, %dma_start3A_47] : memref<2x10240x40xf32, #tpu.memory_space<hbm>> -> memref<1x128x40xf32, #tpu.memory_space<hbm>>
        %dma_start3A_49 = tpu.memref_squeeze %dma_start3A_48 : memref<1x128x40xf32, #tpu.memory_space<hbm>> -> memref<128x40xf32, #tpu.memory_space<hbm>>
        tpu.enqueue_dma source(%arg11 : memref<128x40xf32, #tpu.memory_space<vmem>>) target(%dma_start3A_49 : memref<128x40xf32, #tpu.memory_space<hbm>>) target_semaphore(%run_scoped3A_43 : memref<!tpu.dma_semaphore, #tpu.memory_space<semaphore_mem>>)
        %dma_wait3A_50 = arith.constant 0 : i32
        %dma_wait3A_51 = tpu.memref_slice %arg6[%arg0, %add3A_42, %dma_wait3A_50] : memref<2x10240x40xf32, #tpu.memory_space<hbm>> -> memref<1x128x40xf32, #tpu.memory_space<hbm>>
        %dma_wait3A_52 = tpu.memref_squeeze %dma_wait3A_51 : memref<1x128x40xf32, #tpu.memory_space<hbm>> -> memref<128x40xf32, #tpu.memory_space<hbm>>
        %dma_wait3A_53 = arith.constant 0 : i32
        %dma_wait3A_54 = tpu.memref_slice %arg6[%arg0, %add3A_42, %dma_wait3A_53] : memref<2x10240x40xf32, #tpu.memory_space<hbm>> -> memref<1x128x40xf32, #tpu.memory_space<hbm>>
        %dma_wait3A_55 = tpu.memref_squeeze %dma_wait3A_54 : memref<1x128x40xf32, #tpu.memory_space<hbm>> -> memref<128x40xf32, #tpu.memory_space<hbm>>
        tpu.wait_dma2 semaphore(%run_scoped3A_43 : memref<!tpu.dma_semaphore, #tpu.memory_space<semaphore_mem>>) src(%arg11 : memref<128x40xf32, #tpu.memory_space<vmem>>) dst(%dma_wait3A_55 : memref<128x40xf32, #tpu.memory_space<hbm>>)
        tpu.yield
      }) : () -> ()
    }
    %scan3A_27 = arith.constant 5 : i32
    return
  }
}

#map = affine_map<(d0, d1) -> (0, 0, 0, 0)>
#map1 = affine_map<(d0, d1) -> (0)>
module attributes {stable_mosaic.version = 14 : i64} {
  func.func @deg(%arg0: i32, %arg1: i32, %arg2: memref<2x16x250x80xi32, #tpu.memory_space<hbm>>, %arg3: memref<80xf32, #tpu.memory_space<hbm>>, %arg4: memref<640xf32, #tpu.memory_space<hbm>>, %arg5: memref<10240xf32, #tpu.memory_space<hbm>>, %arg6: memref<10240xf32, #tpu.memory_space<hbm>>, %arg7: memref<250x80xi32, #tpu.memory_space<vmem>>, %arg8: memref<80xf32, #tpu.memory_space<vmem>>, %arg9: memref<640xf32, #tpu.memory_space<vmem>>, %arg10: memref<10240xf32, #tpu.memory_space<vmem_shared>>) attributes {dimension_semantics = [#tpu.dimension_semantics<core_parallel>, #tpu.dimension_semantics<subcore_parallel>], iteration_bounds = array<i64: 2, 16>, scalar_prefetch = 0 : i64, scratch_operands = 4 : i64, tpu.core_type = #tpu.core_type<sc_vector_subcore>, window_params = [{transform_indices = #map}, {transform_indices = #map1}, {transform_indices = #map1}, {transform_indices = #map1}, {transform_indices = #map1}]} {
    "tpu.region"() ({
      %run_scoped3A = tpu.sem_alloc : memref<!tpu.dma_semaphore, #tpu.memory_space<semaphore_mem>>
      tpu.enqueue_dma source(%arg4 : memref<640xf32, #tpu.memory_space<hbm>>) target(%arg9 : memref<640xf32, #tpu.memory_space<vmem>>) target_semaphore(%run_scoped3A : memref<!tpu.dma_semaphore, #tpu.memory_space<semaphore_mem>>)
      tpu.wait_dma2 semaphore(%run_scoped3A : memref<!tpu.dma_semaphore, #tpu.memory_space<semaphore_mem>>) src(%arg4 : memref<640xf32, #tpu.memory_space<hbm>>) dst(%arg9 : memref<640xf32, #tpu.memory_space<vmem>>)
      tpu.yield
    }) : () -> ()
    %mul3A = arith.constant 640 : i32
    %mul3A_0 = arith.muli %arg1, %mul3A : i32
    "tpu.region"() ({
      %run_scoped3A = tpu.sem_alloc : memref<!tpu.dma_semaphore, #tpu.memory_space<semaphore_mem>>
      %dma_start3A = tpu.memref_slice %arg10[%mul3A_0] : memref<10240xf32, #tpu.memory_space<vmem_shared>> -> memref<640xf32, #tpu.memory_space<vmem_shared>>
      %dma_start3A_15 = tpu.memref_slice %arg10[%mul3A_0] : memref<10240xf32, #tpu.memory_space<vmem_shared>> -> memref<640xf32, #tpu.memory_space<vmem_shared>>
      tpu.enqueue_dma source(%arg9 : memref<640xf32, #tpu.memory_space<vmem>>) target(%dma_start3A_15 : memref<640xf32, #tpu.memory_space<vmem_shared>>) target_semaphore(%run_scoped3A : memref<!tpu.dma_semaphore, #tpu.memory_space<semaphore_mem>>)
      %dma_wait3A = tpu.memref_slice %arg10[%mul3A_0] : memref<10240xf32, #tpu.memory_space<vmem_shared>> -> memref<640xf32, #tpu.memory_space<vmem_shared>>
      %dma_wait3A_16 = tpu.memref_slice %arg10[%mul3A_0] : memref<10240xf32, #tpu.memory_space<vmem_shared>> -> memref<640xf32, #tpu.memory_space<vmem_shared>>
      tpu.wait_dma2 semaphore(%run_scoped3A : memref<!tpu.dma_semaphore, #tpu.memory_space<semaphore_mem>>) src(%arg9 : memref<640xf32, #tpu.memory_space<vmem>>) dst(%dma_wait3A_16 : memref<640xf32, #tpu.memory_space<vmem_shared>>)
      tpu.yield
    }) : () -> ()
    "tpu.region"() ({
      %run_scoped3A = tpu.sem_alloc : memref<!tpu.dma_semaphore, #tpu.memory_space<semaphore_mem>>
      tpu.enqueue_dma source(%arg3 : memref<80xf32, #tpu.memory_space<hbm>>) target(%arg8 : memref<80xf32, #tpu.memory_space<vmem>>) target_semaphore(%run_scoped3A : memref<!tpu.dma_semaphore, #tpu.memory_space<semaphore_mem>>)
      tpu.wait_dma2 semaphore(%run_scoped3A : memref<!tpu.dma_semaphore, #tpu.memory_space<semaphore_mem>>) src(%arg3 : memref<80xf32, #tpu.memory_space<hbm>>) dst(%arg8 : memref<80xf32, #tpu.memory_space<vmem>>)
      tpu.yield
    }) : () -> ()
    "tpu.region"() ({
      %run_scoped3A = tpu.sem_alloc : memref<!tpu.dma_semaphore, #tpu.memory_space<semaphore_mem>>
      %dma_start3A = arith.constant 0 : i32
      %dma_start3A_15 = arith.constant 0 : i32
      %dma_start3A_16 = tpu.memref_slice %arg2[%arg0, %arg1, %dma_start3A, %dma_start3A_15] : memref<2x16x250x80xi32, #tpu.memory_space<hbm>> -> memref<1x1x250x80xi32, #tpu.memory_space<hbm>>
      %dma_start3A_17 = tpu.memref_squeeze %dma_start3A_16 : memref<1x1x250x80xi32, #tpu.memory_space<hbm>> -> memref<250x80xi32, #tpu.memory_space<hbm>>
      %dma_start3A_18 = arith.constant 0 : i32
      %dma_start3A_19 = arith.constant 0 : i32
      %dma_start3A_20 = tpu.memref_slice %arg2[%arg0, %arg1, %dma_start3A_18, %dma_start3A_19] : memref<2x16x250x80xi32, #tpu.memory_space<hbm>> -> memref<1x1x250x80xi32, #tpu.memory_space<hbm>>
      %dma_start3A_21 = tpu.memref_squeeze %dma_start3A_20 : memref<1x1x250x80xi32, #tpu.memory_space<hbm>> -> memref<250x80xi32, #tpu.memory_space<hbm>>
      tpu.enqueue_dma source(%dma_start3A_21 : memref<250x80xi32, #tpu.memory_space<hbm>>) target(%arg7 : memref<250x80xi32, #tpu.memory_space<vmem>>) target_semaphore(%run_scoped3A : memref<!tpu.dma_semaphore, #tpu.memory_space<semaphore_mem>>)
      %dma_wait3A = arith.constant 0 : i32
      %dma_wait3A_22 = arith.constant 0 : i32
      %dma_wait3A_23 = tpu.memref_slice %arg2[%arg0, %arg1, %dma_wait3A, %dma_wait3A_22] : memref<2x16x250x80xi32, #tpu.memory_space<hbm>> -> memref<1x1x250x80xi32, #tpu.memory_space<hbm>>
      %dma_wait3A_24 = tpu.memref_squeeze %dma_wait3A_23 : memref<1x1x250x80xi32, #tpu.memory_space<hbm>> -> memref<250x80xi32, #tpu.memory_space<hbm>>
      %dma_wait3A_25 = arith.constant 0 : i32
      %dma_wait3A_26 = arith.constant 0 : i32
      %dma_wait3A_27 = tpu.memref_slice %arg2[%arg0, %arg1, %dma_wait3A_25, %dma_wait3A_26] : memref<2x16x250x80xi32, #tpu.memory_space<hbm>> -> memref<1x1x250x80xi32, #tpu.memory_space<hbm>>
      %dma_wait3A_28 = tpu.memref_squeeze %dma_wait3A_27 : memref<1x1x250x80xi32, #tpu.memory_space<hbm>> -> memref<250x80xi32, #tpu.memory_space<hbm>>
      tpu.wait_dma2 semaphore(%run_scoped3A : memref<!tpu.dma_semaphore, #tpu.memory_space<semaphore_mem>>) src(%dma_wait3A_28 : memref<250x80xi32, #tpu.memory_space<hbm>>) dst(%arg7 : memref<250x80xi32, #tpu.memory_space<vmem>>)
      tpu.yield
    }) : () -> ()
    %barrier3A = arith.constant 0 : index
    tpu.barrier barrier_id(%barrier3A)
    %scan3A = arith.constant 0 : i32
    %scan3A_1 = arith.constant 250 : i32
    %scan3A_2 = arith.addi %scan3A, %scan3A_1 : i32
    %scan3A_3 = arith.constant 1 : i32
    scf.for %scan3A_15 = %scan3A to %scan3A_2 step %scan3A_3  : i32 {
      %mul3A_16 = arith.constant 1 : i32
      %mul3A_17 = arith.muli %scan3A_15, %mul3A_16 : i32
      %add3A = arith.constant 0 : i32
      %add3A_18 = arith.addi %add3A, %mul3A_17 : i32
      "tpu.region"() ({
        %run_scoped3A = tpu.sem_alloc : memref<!tpu.dma_semaphore, #tpu.memory_space<semaphore_mem>>
        %dma_start3A = arith.constant 0 : i32
        %dma_start3A_19 = tpu.memref_slice %arg7[%add3A_18, %dma_start3A] : memref<250x80xi32, #tpu.memory_space<vmem>> -> memref<1x80xi32, #tpu.memory_space<vmem>>
        %dma_start3A_20 = tpu.memref_squeeze %dma_start3A_19 : memref<1x80xi32, #tpu.memory_space<vmem>> -> memref<80xi32, #tpu.memory_space<vmem>>
        %dma_start3A_21 = arith.constant 0 : i32
        %dma_start3A_22 = tpu.memref_slice %arg10[%dma_start3A_21] : memref<10240xf32, #tpu.memory_space<vmem_shared>> -> memref<10240xf32, #tpu.memory_space<vmem_shared>>
        tpu.enqueue_indirect_dma source(%arg8 : memref<80xf32, #tpu.memory_space<vmem>>) target(%dma_start3A_22 : memref<10240xf32, #tpu.memory_space<vmem_shared>>) offsets(%dma_start3A_20 : memref<80xi32, #tpu.memory_space<vmem>>) semaphore(%run_scoped3A : memref<!tpu.dma_semaphore, #tpu.memory_space<semaphore_mem>>) {add = true}
        %dma_wait3A = arith.constant 0 : i32
        %dma_wait3A_23 = tpu.memref_slice %arg7[%add3A_18, %dma_wait3A] : memref<250x80xi32, #tpu.memory_space<vmem>> -> memref<1x80xi32, #tpu.memory_space<vmem>>
        %dma_wait3A_24 = tpu.memref_squeeze %dma_wait3A_23 : memref<1x80xi32, #tpu.memory_space<vmem>> -> memref<80xi32, #tpu.memory_space<vmem>>
        %dma_wait3A_25 = arith.constant 0 : i32
        %dma_wait3A_26 = tpu.memref_slice %arg10[%dma_wait3A_25] : memref<10240xf32, #tpu.memory_space<vmem_shared>> -> memref<10240xf32, #tpu.memory_space<vmem_shared>>
        tpu.wait_indirect_dma semaphore(%run_scoped3A : memref<!tpu.dma_semaphore, #tpu.memory_space<semaphore_mem>>) src(%arg8 : memref<80xf32, #tpu.memory_space<vmem>>) dst(%dma_wait3A_26 : memref<10240xf32, #tpu.memory_space<vmem_shared>>)
        tpu.yield
      }) : () -> ()
    }
    %scan3A_4 = arith.constant 250 : i32
    %barrier3A_5 = arith.constant 0 : index
    tpu.barrier barrier_id(%barrier3A_5)
    %mul3A_6 = arith.constant 640 : i32
    %mul3A_7 = arith.muli %arg1, %mul3A_6 : i32
    "tpu.region"() ({
      %run_scoped3A = tpu.sem_alloc : memref<!tpu.dma_semaphore, #tpu.memory_space<semaphore_mem>>
      %dma_start3A = tpu.memref_slice %arg10[%mul3A_7] : memref<10240xf32, #tpu.memory_space<vmem_shared>> -> memref<640xf32, #tpu.memory_space<vmem_shared>>
      %dma_start3A_15 = tpu.memref_slice %arg10[%mul3A_7] : memref<10240xf32, #tpu.memory_space<vmem_shared>> -> memref<640xf32, #tpu.memory_space<vmem_shared>>
      tpu.enqueue_dma source(%dma_start3A_15 : memref<640xf32, #tpu.memory_space<vmem_shared>>) target(%arg9 : memref<640xf32, #tpu.memory_space<vmem>>) target_semaphore(%run_scoped3A : memref<!tpu.dma_semaphore, #tpu.memory_space<semaphore_mem>>)
      %dma_wait3A = tpu.memref_slice %arg10[%mul3A_7] : memref<10240xf32, #tpu.memory_space<vmem_shared>> -> memref<640xf32, #tpu.memory_space<vmem_shared>>
      %dma_wait3A_16 = tpu.memref_slice %arg10[%mul3A_7] : memref<10240xf32, #tpu.memory_space<vmem_shared>> -> memref<640xf32, #tpu.memory_space<vmem_shared>>
      tpu.wait_dma2 semaphore(%run_scoped3A : memref<!tpu.dma_semaphore, #tpu.memory_space<semaphore_mem>>) src(%dma_wait3A_16 : memref<640xf32, #tpu.memory_space<vmem_shared>>) dst(%arg9 : memref<640xf32, #tpu.memory_space<vmem>>)
      tpu.yield
    }) : () -> ()
    %eq3A = arith.constant 0 : i32
    %eq3A_8 = arith.cmpi eq, %arg0, %eq3A : i32
    %convert_element_type3A = arith.extui %eq3A_8 : i1 to i32
    %cond3A = arith.constant 0 : i32
    %cond3A_9 = arith.cmpi ne, %convert_element_type3A, %cond3A : i32
    scf.if %cond3A_9 {
      "tpu.region"() ({
        %run_scoped3A = tpu.sem_alloc : memref<!tpu.dma_semaphore, #tpu.memory_space<semaphore_mem>>
        %dma_start3A = tpu.memref_slice %arg5[%mul3A_7] : memref<10240xf32, #tpu.memory_space<hbm>> -> memref<640xf32, #tpu.memory_space<hbm>>
        %dma_start3A_15 = tpu.memref_slice %arg5[%mul3A_7] : memref<10240xf32, #tpu.memory_space<hbm>> -> memref<640xf32, #tpu.memory_space<hbm>>
        tpu.enqueue_dma source(%arg9 : memref<640xf32, #tpu.memory_space<vmem>>) target(%dma_start3A_15 : memref<640xf32, #tpu.memory_space<hbm>>) target_semaphore(%run_scoped3A : memref<!tpu.dma_semaphore, #tpu.memory_space<semaphore_mem>>)
        %dma_wait3A = tpu.memref_slice %arg5[%mul3A_7] : memref<10240xf32, #tpu.memory_space<hbm>> -> memref<640xf32, #tpu.memory_space<hbm>>
        %dma_wait3A_16 = tpu.memref_slice %arg5[%mul3A_7] : memref<10240xf32, #tpu.memory_space<hbm>> -> memref<640xf32, #tpu.memory_space<hbm>>
        tpu.wait_dma2 semaphore(%run_scoped3A : memref<!tpu.dma_semaphore, #tpu.memory_space<semaphore_mem>>) src(%arg9 : memref<640xf32, #tpu.memory_space<vmem>>) dst(%dma_wait3A_16 : memref<640xf32, #tpu.memory_space<hbm>>)
        tpu.yield
      }) : () -> ()
    } else {
    }
    %eq3A_10 = arith.constant 1 : i32
    %eq3A_11 = arith.cmpi eq, %arg0, %eq3A_10 : i32
    %convert_element_type3A_12 = arith.extui %eq3A_11 : i1 to i32
    %cond3A_13 = arith.constant 0 : i32
    %cond3A_14 = arith.cmpi ne, %convert_element_type3A_12, %cond3A_13 : i32
    scf.if %cond3A_14 {
      "tpu.region"() ({
        %run_scoped3A = tpu.sem_alloc : memref<!tpu.dma_semaphore, #tpu.memory_space<semaphore_mem>>
        %dma_start3A = tpu.memref_slice %arg6[%mul3A_7] : memref<10240xf32, #tpu.memory_space<hbm>> -> memref<640xf32, #tpu.memory_space<hbm>>
        %dma_start3A_15 = tpu.memref_slice %arg6[%mul3A_7] : memref<10240xf32, #tpu.memory_space<hbm>> -> memref<640xf32, #tpu.memory_space<hbm>>
        tpu.enqueue_dma source(%arg9 : memref<640xf32, #tpu.memory_space<vmem>>) target(%dma_start3A_15 : memref<640xf32, #tpu.memory_space<hbm>>) target_semaphore(%run_scoped3A : memref<!tpu.dma_semaphore, #tpu.memory_space<semaphore_mem>>)
        %dma_wait3A = tpu.memref_slice %arg6[%mul3A_7] : memref<10240xf32, #tpu.memory_space<hbm>> -> memref<640xf32, #tpu.memory_space<hbm>>
        %dma_wait3A_16 = tpu.memref_slice %arg6[%mul3A_7] : memref<10240xf32, #tpu.memory_space<hbm>> -> memref<640xf32, #tpu.memory_space<hbm>>
        tpu.wait_dma2 semaphore(%run_scoped3A : memref<!tpu.dma_semaphore, #tpu.memory_space<semaphore_mem>>) src(%arg9 : memref<640xf32, #tpu.memory_space<vmem>>) dst(%dma_wait3A_16 : memref<640xf32, #tpu.memory_space<hbm>>)
        tpu.yield
      }) : () -> ()
    } else {
    }
    return
  }
}

#map = affine_map<(d0, d1) -> (0, 0)>
#map1 = affine_map<(d0, d1) -> (0, 0, 0)>
module attributes {stable_mosaic.version = 14 : i64} {
  func.func @agg(%arg0: i32, %arg1: i32, %arg2: memref<10000x128xf32, #tpu.memory_space<hbm>>, %arg3: memref<32x125x80xi32, #tpu.memory_space<hbm>>, %arg4: memref<32x125x80xi32, #tpu.memory_space<hbm>>, %arg5: memref<64x128xf32, #tpu.memory_space<hbm>>, %arg6: memref<2x10240x128xf32, #tpu.memory_space<hbm>>, %arg7: memref<125x80xi32, #tpu.memory_space<vmem>>, %arg8: memref<125x80xi32, #tpu.memory_space<vmem>>, %arg9: memref<80x128xf32, #tpu.memory_space<vmem>>, %arg10: memref<80x128xf32, #tpu.memory_space<vmem>>, %arg11: memref<64x128xf32, #tpu.memory_space<vmem>>, %arg12: memref<10240x128xf32, #tpu.memory_space<vmem_shared>>, %arg13: memref<!tpu.dma_semaphore, #tpu.memory_space<semaphore_mem>>, %arg14: memref<!tpu.dma_semaphore, #tpu.memory_space<semaphore_mem>>) attributes {dimension_semantics = [#tpu.dimension_semantics<core_parallel>, #tpu.dimension_semantics<subcore_parallel>], iteration_bounds = array<i64: 2, 16>, scalar_prefetch = 0 : i64, scratch_operands = 8 : i64, tpu.core_type = #tpu.core_type<sc_vector_subcore>, window_params = [{transform_indices = #map}, {transform_indices = #map1}, {transform_indices = #map1}, {transform_indices = #map}, {transform_indices = #map1}]} {
    %mul3A = arith.constant 16 : i32
    %mul3A_0 = arith.muli %arg0, %mul3A : i32
    %add3A = arith.addi %mul3A_0, %arg1 : i32
    "tpu.region"() ({
      %run_scoped3A_28 = tpu.sem_alloc : memref<!tpu.dma_semaphore, #tpu.memory_space<semaphore_mem>>
      tpu.enqueue_dma source(%arg5 : memref<64x128xf32, #tpu.memory_space<hbm>>) target(%arg11 : memref<64x128xf32, #tpu.memory_space<vmem>>) target_semaphore(%run_scoped3A_28 : memref<!tpu.dma_semaphore, #tpu.memory_space<semaphore_mem>>)
      tpu.wait_dma2 semaphore(%run_scoped3A_28 : memref<!tpu.dma_semaphore, #tpu.memory_space<semaphore_mem>>) src(%arg5 : memref<64x128xf32, #tpu.memory_space<hbm>>) dst(%arg11 : memref<64x128xf32, #tpu.memory_space<vmem>>)
      tpu.yield
    }) : () -> ()
    %scan3A = arith.constant 0 : i32
    %scan3A_1 = arith.constant 10 : i32
    %scan3A_2 = arith.addi %scan3A, %scan3A_1 : i32
    %scan3A_3 = arith.constant 1 : i32
    scf.for %scan3A_28 = %scan3A to %scan3A_2 step %scan3A_3  : i32 {
      %mul3A_29 = arith.constant 1 : i32
      %mul3A_30 = arith.muli %scan3A_28, %mul3A_29 : i32
      %add3A_31 = arith.constant 0 : i32
      %add3A_32 = arith.addi %add3A_31, %mul3A_30 : i32
      %mul3A_33 = arith.constant 640 : i32
      %mul3A_34 = arith.muli %arg1, %mul3A_33 : i32
      %mul3A_35 = arith.constant 64 : i32
      %mul3A_36 = arith.muli %add3A_32, %mul3A_35 : i32
      %add3A_37 = arith.addi %mul3A_34, %mul3A_36 : i32
      "tpu.region"() ({
        %run_scoped3A_38 = tpu.sem_alloc : memref<!tpu.dma_semaphore, #tpu.memory_space<semaphore_mem>>
        %dma_start3A_39 = arith.constant 0 : i32
        %dma_start3A_40 = tpu.memref_slice %arg12[%add3A_37, %dma_start3A_39] : memref<10240x128xf32, #tpu.memory_space<vmem_shared>> -> memref<64x128xf32, #tpu.memory_space<vmem_shared>>
        %dma_start3A_41 = arith.constant 0 : i32
        %dma_start3A_42 = tpu.memref_slice %arg12[%add3A_37, %dma_start3A_41] : memref<10240x128xf32, #tpu.memory_space<vmem_shared>> -> memref<64x128xf32, #tpu.memory_space<vmem_shared>>
        tpu.enqueue_dma source(%arg11 : memref<64x128xf32, #tpu.memory_space<vmem>>) target(%dma_start3A_42 : memref<64x128xf32, #tpu.memory_space<vmem_shared>>) target_semaphore(%run_scoped3A_38 : memref<!tpu.dma_semaphore, #tpu.memory_space<semaphore_mem>>)
        %dma_wait3A_43 = arith.constant 0 : i32
        %dma_wait3A_44 = tpu.memref_slice %arg12[%add3A_37, %dma_wait3A_43] : memref<10240x128xf32, #tpu.memory_space<vmem_shared>> -> memref<64x128xf32, #tpu.memory_space<vmem_shared>>
        %dma_wait3A_45 = arith.constant 0 : i32
        %dma_wait3A_46 = tpu.memref_slice %arg12[%add3A_37, %dma_wait3A_45] : memref<10240x128xf32, #tpu.memory_space<vmem_shared>> -> memref<64x128xf32, #tpu.memory_space<vmem_shared>>
        tpu.wait_dma2 semaphore(%run_scoped3A_38 : memref<!tpu.dma_semaphore, #tpu.memory_space<semaphore_mem>>) src(%arg11 : memref<64x128xf32, #tpu.memory_space<vmem>>) dst(%dma_wait3A_46 : memref<64x128xf32, #tpu.memory_space<vmem_shared>>)
        tpu.yield
      }) : () -> ()
    }
    %scan3A_4 = arith.constant 10 : i32
    "tpu.region"() ({
      %run_scoped3A_28 = tpu.sem_alloc : memref<!tpu.dma_semaphore, #tpu.memory_space<semaphore_mem>>
      %dma_start3A_29 = arith.constant 0 : i32
      %dma_start3A_30 = arith.constant 0 : i32
      %dma_start3A_31 = tpu.memref_slice %arg3[%add3A, %dma_start3A_29, %dma_start3A_30] : memref<32x125x80xi32, #tpu.memory_space<hbm>> -> memref<1x125x80xi32, #tpu.memory_space<hbm>>
      %dma_start3A_32 = tpu.memref_squeeze %dma_start3A_31 : memref<1x125x80xi32, #tpu.memory_space<hbm>> -> memref<125x80xi32, #tpu.memory_space<hbm>>
      %dma_start3A_33 = arith.constant 0 : i32
      %dma_start3A_34 = arith.constant 0 : i32
      %dma_start3A_35 = tpu.memref_slice %arg3[%add3A, %dma_start3A_33, %dma_start3A_34] : memref<32x125x80xi32, #tpu.memory_space<hbm>> -> memref<1x125x80xi32, #tpu.memory_space<hbm>>
      %dma_start3A_36 = tpu.memref_squeeze %dma_start3A_35 : memref<1x125x80xi32, #tpu.memory_space<hbm>> -> memref<125x80xi32, #tpu.memory_space<hbm>>
      tpu.enqueue_dma source(%dma_start3A_36 : memref<125x80xi32, #tpu.memory_space<hbm>>) target(%arg7 : memref<125x80xi32, #tpu.memory_space<vmem>>) target_semaphore(%run_scoped3A_28 : memref<!tpu.dma_semaphore, #tpu.memory_space<semaphore_mem>>)
      %dma_wait3A_37 = arith.constant 0 : i32
      %dma_wait3A_38 = arith.constant 0 : i32
      %dma_wait3A_39 = tpu.memref_slice %arg3[%add3A, %dma_wait3A_37, %dma_wait3A_38] : memref<32x125x80xi32, #tpu.memory_space<hbm>> -> memref<1x125x80xi32, #tpu.memory_space<hbm>>
      %dma_wait3A_40 = tpu.memref_squeeze %dma_wait3A_39 : memref<1x125x80xi32, #tpu.memory_space<hbm>> -> memref<125x80xi32, #tpu.memory_space<hbm>>
      %dma_wait3A_41 = arith.constant 0 : i32
      %dma_wait3A_42 = arith.constant 0 : i32
      %dma_wait3A_43 = tpu.memref_slice %arg3[%add3A, %dma_wait3A_41, %dma_wait3A_42] : memref<32x125x80xi32, #tpu.memory_space<hbm>> -> memref<1x125x80xi32, #tpu.memory_space<hbm>>
      %dma_wait3A_44 = tpu.memref_squeeze %dma_wait3A_43 : memref<1x125x80xi32, #tpu.memory_space<hbm>> -> memref<125x80xi32, #tpu.memory_space<hbm>>
      tpu.wait_dma2 semaphore(%run_scoped3A_28 : memref<!tpu.dma_semaphore, #tpu.memory_space<semaphore_mem>>) src(%dma_wait3A_44 : memref<125x80xi32, #tpu.memory_space<hbm>>) dst(%arg7 : memref<125x80xi32, #tpu.memory_space<vmem>>)
      tpu.yield
    }) : () -> ()
    "tpu.region"() ({
      %run_scoped3A_28 = tpu.sem_alloc : memref<!tpu.dma_semaphore, #tpu.memory_space<semaphore_mem>>
      %dma_start3A_29 = arith.constant 0 : i32
      %dma_start3A_30 = arith.constant 0 : i32
      %dma_start3A_31 = tpu.memref_slice %arg4[%add3A, %dma_start3A_29, %dma_start3A_30] : memref<32x125x80xi32, #tpu.memory_space<hbm>> -> memref<1x125x80xi32, #tpu.memory_space<hbm>>
      %dma_start3A_32 = tpu.memref_squeeze %dma_start3A_31 : memref<1x125x80xi32, #tpu.memory_space<hbm>> -> memref<125x80xi32, #tpu.memory_space<hbm>>
      %dma_start3A_33 = arith.constant 0 : i32
      %dma_start3A_34 = arith.constant 0 : i32
      %dma_start3A_35 = tpu.memref_slice %arg4[%add3A, %dma_start3A_33, %dma_start3A_34] : memref<32x125x80xi32, #tpu.memory_space<hbm>> -> memref<1x125x80xi32, #tpu.memory_space<hbm>>
      %dma_start3A_36 = tpu.memref_squeeze %dma_start3A_35 : memref<1x125x80xi32, #tpu.memory_space<hbm>> -> memref<125x80xi32, #tpu.memory_space<hbm>>
      tpu.enqueue_dma source(%dma_start3A_36 : memref<125x80xi32, #tpu.memory_space<hbm>>) target(%arg8 : memref<125x80xi32, #tpu.memory_space<vmem>>) target_semaphore(%run_scoped3A_28 : memref<!tpu.dma_semaphore, #tpu.memory_space<semaphore_mem>>)
      %dma_wait3A_37 = arith.constant 0 : i32
      %dma_wait3A_38 = arith.constant 0 : i32
      %dma_wait3A_39 = tpu.memref_slice %arg4[%add3A, %dma_wait3A_37, %dma_wait3A_38] : memref<32x125x80xi32, #tpu.memory_space<hbm>> -> memref<1x125x80xi32, #tpu.memory_space<hbm>>
      %dma_wait3A_40 = tpu.memref_squeeze %dma_wait3A_39 : memref<1x125x80xi32, #tpu.memory_space<hbm>> -> memref<125x80xi32, #tpu.memory_space<hbm>>
      %dma_wait3A_41 = arith.constant 0 : i32
      %dma_wait3A_42 = arith.constant 0 : i32
      %dma_wait3A_43 = tpu.memref_slice %arg4[%add3A, %dma_wait3A_41, %dma_wait3A_42] : memref<32x125x80xi32, #tpu.memory_space<hbm>> -> memref<1x125x80xi32, #tpu.memory_space<hbm>>
      %dma_wait3A_44 = tpu.memref_squeeze %dma_wait3A_43 : memref<1x125x80xi32, #tpu.memory_space<hbm>> -> memref<125x80xi32, #tpu.memory_space<hbm>>
      tpu.wait_dma2 semaphore(%run_scoped3A_28 : memref<!tpu.dma_semaphore, #tpu.memory_space<semaphore_mem>>) src(%dma_wait3A_44 : memref<125x80xi32, #tpu.memory_space<hbm>>) dst(%arg8 : memref<125x80xi32, #tpu.memory_space<vmem>>)
      tpu.yield
    }) : () -> ()
    %barrier3A = arith.constant 0 : index
    tpu.barrier barrier_id(%barrier3A)
    %dma_start3A = arith.constant 0 : i32
    %dma_start3A_5 = arith.constant 0 : i32
    %dma_start3A_6 = tpu.memref_slice %arg7[%dma_start3A, %dma_start3A_5] : memref<125x80xi32, #tpu.memory_space<vmem>> -> memref<1x80xi32, #tpu.memory_space<vmem>>
    %dma_start3A_7 = tpu.memref_squeeze %dma_start3A_6 : memref<1x80xi32, #tpu.memory_space<vmem>> -> memref<80xi32, #tpu.memory_space<vmem>>
    %dma_start3A_8 = arith.constant 0 : i32
    %dma_start3A_9 = arith.constant 0 : i32
    %dma_start3A_10 = tpu.memref_slice %arg2[%dma_start3A_8, %dma_start3A_9] : memref<10000x128xf32, #tpu.memory_space<hbm>> -> memref<10000x128xf32, #tpu.memory_space<hbm>>
    tpu.enqueue_indirect_dma source(%dma_start3A_10 : memref<10000x128xf32, #tpu.memory_space<hbm>>) target(%arg9 : memref<80x128xf32, #tpu.memory_space<vmem>>) offsets(%dma_start3A_7 : memref<80xi32, #tpu.memory_space<vmem>>) semaphore(%arg13 : memref<!tpu.dma_semaphore, #tpu.memory_space<semaphore_mem>>)
    %scan3A_11 = arith.constant 0 : i32
    %scan3A_12 = arith.constant 62 : i32
    %scan3A_13 = arith.addi %scan3A_11, %scan3A_12 : i32
    %scan3A_14 = arith.constant 1 : i32
    scf.for %scan3A_28 = %scan3A_11 to %scan3A_13 step %scan3A_14  : i32 {
      %mul3A_29 = arith.constant 2 : i32
      %mul3A_30 = arith.muli %scan3A_28, %mul3A_29 : i32
      %add3A_31 = arith.constant 0 : i32
      %add3A_32 = arith.addi %add3A_31, %mul3A_30 : i32
      %add3A_33 = arith.constant 1 : i32
      %add3A_34 = arith.addi %add3A_32, %add3A_33 : i32
      %dma_start3A_35 = arith.constant 0 : i32
      %dma_start3A_36 = tpu.memref_slice %arg7[%add3A_34, %dma_start3A_35] : memref<125x80xi32, #tpu.memory_space<vmem>> -> memref<1x80xi32, #tpu.memory_space<vmem>>
      %dma_start3A_37 = tpu.memref_squeeze %dma_start3A_36 : memref<1x80xi32, #tpu.memory_space<vmem>> -> memref<80xi32, #tpu.memory_space<vmem>>
      %dma_start3A_38 = arith.constant 0 : i32
      %dma_start3A_39 = arith.constant 0 : i32
      %dma_start3A_40 = tpu.memref_slice %arg2[%dma_start3A_38, %dma_start3A_39] : memref<10000x128xf32, #tpu.memory_space<hbm>> -> memref<10000x128xf32, #tpu.memory_space<hbm>>
      tpu.enqueue_indirect_dma source(%dma_start3A_40 : memref<10000x128xf32, #tpu.memory_space<hbm>>) target(%arg10 : memref<80x128xf32, #tpu.memory_space<vmem>>) offsets(%dma_start3A_37 : memref<80xi32, #tpu.memory_space<vmem>>) semaphore(%arg14 : memref<!tpu.dma_semaphore, #tpu.memory_space<semaphore_mem>>)
      %dma_wait3A_41 = arith.constant 0 : i32
      %dma_wait3A_42 = tpu.memref_slice %arg7[%add3A_32, %dma_wait3A_41] : memref<125x80xi32, #tpu.memory_space<vmem>> -> memref<1x80xi32, #tpu.memory_space<vmem>>
      %dma_wait3A_43 = tpu.memref_squeeze %dma_wait3A_42 : memref<1x80xi32, #tpu.memory_space<vmem>> -> memref<80xi32, #tpu.memory_space<vmem>>
      %dma_wait3A_44 = arith.constant 0 : i32
      %dma_wait3A_45 = arith.constant 0 : i32
      %dma_wait3A_46 = tpu.memref_slice %arg2[%dma_wait3A_44, %dma_wait3A_45] : memref<10000x128xf32, #tpu.memory_space<hbm>> -> memref<10000x128xf32, #tpu.memory_space<hbm>>
      tpu.wait_indirect_dma semaphore(%arg13 : memref<!tpu.dma_semaphore, #tpu.memory_space<semaphore_mem>>) src(%dma_wait3A_46 : memref<10000x128xf32, #tpu.memory_space<hbm>>) dst(%arg9 : memref<80x128xf32, #tpu.memory_space<vmem>>)
      "tpu.region"() ({
        %run_scoped3A_61 = tpu.sem_alloc : memref<!tpu.dma_semaphore, #tpu.memory_space<semaphore_mem>>
        %dma_start3A_62 = arith.constant 0 : i32
        %dma_start3A_63 = tpu.memref_slice %arg8[%add3A_32, %dma_start3A_62] : memref<125x80xi32, #tpu.memory_space<vmem>> -> memref<1x80xi32, #tpu.memory_space<vmem>>
        %dma_start3A_64 = tpu.memref_squeeze %dma_start3A_63 : memref<1x80xi32, #tpu.memory_space<vmem>> -> memref<80xi32, #tpu.memory_space<vmem>>
        %dma_start3A_65 = arith.constant 0 : i32
        %dma_start3A_66 = arith.constant 0 : i32
        %dma_start3A_67 = tpu.memref_slice %arg12[%dma_start3A_65, %dma_start3A_66] : memref<10240x128xf32, #tpu.memory_space<vmem_shared>> -> memref<10240x128xf32, #tpu.memory_space<vmem_shared>>
        tpu.enqueue_indirect_dma source(%arg9 : memref<80x128xf32, #tpu.memory_space<vmem>>) target(%dma_start3A_67 : memref<10240x128xf32, #tpu.memory_space<vmem_shared>>) offsets(%dma_start3A_64 : memref<80xi32, #tpu.memory_space<vmem>>) semaphore(%run_scoped3A_61 : memref<!tpu.dma_semaphore, #tpu.memory_space<semaphore_mem>>) {add = true}
        %dma_wait3A_68 = arith.constant 0 : i32
        %dma_wait3A_69 = tpu.memref_slice %arg8[%add3A_32, %dma_wait3A_68] : memref<125x80xi32, #tpu.memory_space<vmem>> -> memref<1x80xi32, #tpu.memory_space<vmem>>
        %dma_wait3A_70 = tpu.memref_squeeze %dma_wait3A_69 : memref<1x80xi32, #tpu.memory_space<vmem>> -> memref<80xi32, #tpu.memory_space<vmem>>
        %dma_wait3A_71 = arith.constant 0 : i32
        %dma_wait3A_72 = arith.constant 0 : i32
        %dma_wait3A_73 = tpu.memref_slice %arg12[%dma_wait3A_71, %dma_wait3A_72] : memref<10240x128xf32, #tpu.memory_space<vmem_shared>> -> memref<10240x128xf32, #tpu.memory_space<vmem_shared>>
        tpu.wait_indirect_dma semaphore(%run_scoped3A_61 : memref<!tpu.dma_semaphore, #tpu.memory_space<semaphore_mem>>) src(%arg9 : memref<80x128xf32, #tpu.memory_space<vmem>>) dst(%dma_wait3A_73 : memref<10240x128xf32, #tpu.memory_space<vmem_shared>>)
        tpu.yield
      }) : () -> ()
      %add3A_47 = arith.constant 2 : i32
      %add3A_48 = arith.addi %add3A_32, %add3A_47 : i32
      %lt3A = arith.constant 125 : i32
      %lt3A_49 = arith.cmpi slt, %add3A_48, %lt3A : i32
      %convert_element_type3A = arith.extui %lt3A_49 : i1 to i32
      %cond3A = arith.constant 0 : i32
      %cond3A_50 = arith.cmpi ne, %convert_element_type3A, %cond3A : i32
      scf.if %cond3A_50 {
        %add3A_61 = arith.constant 2 : i32
        %add3A_62 = arith.addi %add3A_32, %add3A_61 : i32
        %dma_start3A_63 = arith.constant 0 : i32
        %dma_start3A_64 = tpu.memref_slice %arg7[%add3A_62, %dma_start3A_63] : memref<125x80xi32, #tpu.memory_space<vmem>> -> memref<1x80xi32, #tpu.memory_space<vmem>>
        %dma_start3A_65 = tpu.memref_squeeze %dma_start3A_64 : memref<1x80xi32, #tpu.memory_space<vmem>> -> memref<80xi32, #tpu.memory_space<vmem>>
        %dma_start3A_66 = arith.constant 0 : i32
        %dma_start3A_67 = arith.constant 0 : i32
        %dma_start3A_68 = tpu.memref_slice %arg2[%dma_start3A_66, %dma_start3A_67] : memref<10000x128xf32, #tpu.memory_space<hbm>> -> memref<10000x128xf32, #tpu.memory_space<hbm>>
        tpu.enqueue_indirect_dma source(%dma_start3A_68 : memref<10000x128xf32, #tpu.memory_space<hbm>>) target(%arg9 : memref<80x128xf32, #tpu.memory_space<vmem>>) offsets(%dma_start3A_65 : memref<80xi32, #tpu.memory_space<vmem>>) semaphore(%arg13 : memref<!tpu.dma_semaphore, #tpu.memory_space<semaphore_mem>>)
      } else {
      }
      %add3A_51 = arith.constant 1 : i32
      %add3A_52 = arith.addi %add3A_32, %add3A_51 : i32
      %dma_wait3A_53 = arith.constant 0 : i32
      %dma_wait3A_54 = tpu.memref_slice %arg7[%add3A_52, %dma_wait3A_53] : memref<125x80xi32, #tpu.memory_space<vmem>> -> memref<1x80xi32, #tpu.memory_space<vmem>>
      %dma_wait3A_55 = tpu.memref_squeeze %dma_wait3A_54 : memref<1x80xi32, #tpu.memory_space<vmem>> -> memref<80xi32, #tpu.memory_space<vmem>>
      %dma_wait3A_56 = arith.constant 0 : i32
      %dma_wait3A_57 = arith.constant 0 : i32
      %dma_wait3A_58 = tpu.memref_slice %arg2[%dma_wait3A_56, %dma_wait3A_57] : memref<10000x128xf32, #tpu.memory_space<hbm>> -> memref<10000x128xf32, #tpu.memory_space<hbm>>
      tpu.wait_indirect_dma semaphore(%arg14 : memref<!tpu.dma_semaphore, #tpu.memory_space<semaphore_mem>>) src(%dma_wait3A_58 : memref<10000x128xf32, #tpu.memory_space<hbm>>) dst(%arg10 : memref<80x128xf32, #tpu.memory_space<vmem>>)
      %add3A_59 = arith.constant 1 : i32
      %add3A_60 = arith.addi %add3A_32, %add3A_59 : i32
      "tpu.region"() ({
        %run_scoped3A_61 = tpu.sem_alloc : memref<!tpu.dma_semaphore, #tpu.memory_space<semaphore_mem>>
        %dma_start3A_62 = arith.constant 0 : i32
        %dma_start3A_63 = tpu.memref_slice %arg8[%add3A_60, %dma_start3A_62] : memref<125x80xi32, #tpu.memory_space<vmem>> -> memref<1x80xi32, #tpu.memory_space<vmem>>
        %dma_start3A_64 = tpu.memref_squeeze %dma_start3A_63 : memref<1x80xi32, #tpu.memory_space<vmem>> -> memref<80xi32, #tpu.memory_space<vmem>>
        %dma_start3A_65 = arith.constant 0 : i32
        %dma_start3A_66 = arith.constant 0 : i32
        %dma_start3A_67 = tpu.memref_slice %arg12[%dma_start3A_65, %dma_start3A_66] : memref<10240x128xf32, #tpu.memory_space<vmem_shared>> -> memref<10240x128xf32, #tpu.memory_space<vmem_shared>>
        tpu.enqueue_indirect_dma source(%arg10 : memref<80x128xf32, #tpu.memory_space<vmem>>) target(%dma_start3A_67 : memref<10240x128xf32, #tpu.memory_space<vmem_shared>>) offsets(%dma_start3A_64 : memref<80xi32, #tpu.memory_space<vmem>>) semaphore(%run_scoped3A_61 : memref<!tpu.dma_semaphore, #tpu.memory_space<semaphore_mem>>) {add = true}
        %dma_wait3A_68 = arith.constant 0 : i32
        %dma_wait3A_69 = tpu.memref_slice %arg8[%add3A_60, %dma_wait3A_68] : memref<125x80xi32, #tpu.memory_space<vmem>> -> memref<1x80xi32, #tpu.memory_space<vmem>>
        %dma_wait3A_70 = tpu.memref_squeeze %dma_wait3A_69 : memref<1x80xi32, #tpu.memory_space<vmem>> -> memref<80xi32, #tpu.memory_space<vmem>>
        %dma_wait3A_71 = arith.constant 0 : i32
        %dma_wait3A_72 = arith.constant 0 : i32
        %dma_wait3A_73 = tpu.memref_slice %arg12[%dma_wait3A_71, %dma_wait3A_72] : memref<10240x128xf32, #tpu.memory_space<vmem_shared>> -> memref<10240x128xf32, #tpu.memory_space<vmem_shared>>
        tpu.wait_indirect_dma semaphore(%run_scoped3A_61 : memref<!tpu.dma_semaphore, #tpu.memory_space<semaphore_mem>>) src(%arg10 : memref<80x128xf32, #tpu.memory_space<vmem>>) dst(%dma_wait3A_73 : memref<10240x128xf32, #tpu.memory_space<vmem_shared>>)
        tpu.yield
      }) : () -> ()
    }
    %scan3A_15 = arith.constant 62 : i32
    %dma_wait3A = arith.constant 124 : i32
    %dma_wait3A_16 = arith.constant 0 : i32
    %dma_wait3A_17 = tpu.memref_slice %arg7[%dma_wait3A, %dma_wait3A_16] : memref<125x80xi32, #tpu.memory_space<vmem>> -> memref<1x80xi32, #tpu.memory_space<vmem>>
    %dma_wait3A_18 = tpu.memref_squeeze %dma_wait3A_17 : memref<1x80xi32, #tpu.memory_space<vmem>> -> memref<80xi32, #tpu.memory_space<vmem>>
    %dma_wait3A_19 = arith.constant 0 : i32
    %dma_wait3A_20 = arith.constant 0 : i32
    %dma_wait3A_21 = tpu.memref_slice %arg2[%dma_wait3A_19, %dma_wait3A_20] : memref<10000x128xf32, #tpu.memory_space<hbm>> -> memref<10000x128xf32, #tpu.memory_space<hbm>>
    tpu.wait_indirect_dma semaphore(%arg13 : memref<!tpu.dma_semaphore, #tpu.memory_space<semaphore_mem>>) src(%dma_wait3A_21 : memref<10000x128xf32, #tpu.memory_space<hbm>>) dst(%arg9 : memref<80x128xf32, #tpu.memory_space<vmem>>)
    %run_scoped3A = arith.constant 124 : i32
    "tpu.region"() ({
      %run_scoped3A_28 = tpu.sem_alloc : memref<!tpu.dma_semaphore, #tpu.memory_space<semaphore_mem>>
      %dma_start3A_29 = arith.constant 0 : i32
      %dma_start3A_30 = tpu.memref_slice %arg8[%run_scoped3A, %dma_start3A_29] : memref<125x80xi32, #tpu.memory_space<vmem>> -> memref<1x80xi32, #tpu.memory_space<vmem>>
      %dma_start3A_31 = tpu.memref_squeeze %dma_start3A_30 : memref<1x80xi32, #tpu.memory_space<vmem>> -> memref<80xi32, #tpu.memory_space<vmem>>
      %dma_start3A_32 = arith.constant 0 : i32
      %dma_start3A_33 = arith.constant 0 : i32
      %dma_start3A_34 = tpu.memref_slice %arg12[%dma_start3A_32, %dma_start3A_33] : memref<10240x128xf32, #tpu.memory_space<vmem_shared>> -> memref<10240x128xf32, #tpu.memory_space<vmem_shared>>
      tpu.enqueue_indirect_dma source(%arg9 : memref<80x128xf32, #tpu.memory_space<vmem>>) target(%dma_start3A_34 : memref<10240x128xf32, #tpu.memory_space<vmem_shared>>) offsets(%dma_start3A_31 : memref<80xi32, #tpu.memory_space<vmem>>) semaphore(%run_scoped3A_28 : memref<!tpu.dma_semaphore, #tpu.memory_space<semaphore_mem>>) {add = true}
      %dma_wait3A_35 = arith.constant 0 : i32
      %dma_wait3A_36 = tpu.memref_slice %arg8[%run_scoped3A, %dma_wait3A_35] : memref<125x80xi32, #tpu.memory_space<vmem>> -> memref<1x80xi32, #tpu.memory_space<vmem>>
      %dma_wait3A_37 = tpu.memref_squeeze %dma_wait3A_36 : memref<1x80xi32, #tpu.memory_space<vmem>> -> memref<80xi32, #tpu.memory_space<vmem>>
      %dma_wait3A_38 = arith.constant 0 : i32
      %dma_wait3A_39 = arith.constant 0 : i32
      %dma_wait3A_40 = tpu.memref_slice %arg12[%dma_wait3A_38, %dma_wait3A_39] : memref<10240x128xf32, #tpu.memory_space<vmem_shared>> -> memref<10240x128xf32, #tpu.memory_space<vmem_shared>>
      tpu.wait_indirect_dma semaphore(%run_scoped3A_28 : memref<!tpu.dma_semaphore, #tpu.memory_space<semaphore_mem>>) src(%arg9 : memref<80x128xf32, #tpu.memory_space<vmem>>) dst(%dma_wait3A_40 : memref<10240x128xf32, #tpu.memory_space<vmem_shared>>)
      tpu.yield
    }) : () -> ()
    %barrier3A_22 = arith.constant 0 : index
    tpu.barrier barrier_id(%barrier3A_22)
    %scan3A_23 = arith.constant 0 : i32
    %scan3A_24 = arith.constant 10 : i32
    %scan3A_25 = arith.addi %scan3A_23, %scan3A_24 : i32
    %scan3A_26 = arith.constant 1 : i32
    scf.for %scan3A_28 = %scan3A_23 to %scan3A_25 step %scan3A_26  : i32 {
      %mul3A_29 = arith.constant 1 : i32
      %mul3A_30 = arith.muli %scan3A_28, %mul3A_29 : i32
      %add3A_31 = arith.constant 0 : i32
      %add3A_32 = arith.addi %add3A_31, %mul3A_30 : i32
      %mul3A_33 = arith.constant 640 : i32
      %mul3A_34 = arith.muli %arg1, %mul3A_33 : i32
      %mul3A_35 = arith.constant 64 : i32
      %mul3A_36 = arith.muli %add3A_32, %mul3A_35 : i32
      %add3A_37 = arith.addi %mul3A_34, %mul3A_36 : i32
      "tpu.region"() ({
        %run_scoped3A_43 = tpu.sem_alloc : memref<!tpu.dma_semaphore, #tpu.memory_space<semaphore_mem>>
        %dma_start3A_44 = arith.constant 0 : i32
        %dma_start3A_45 = tpu.memref_slice %arg12[%add3A_37, %dma_start3A_44] : memref<10240x128xf32, #tpu.memory_space<vmem_shared>> -> memref<64x128xf32, #tpu.memory_space<vmem_shared>>
        %dma_start3A_46 = arith.constant 0 : i32
        %dma_start3A_47 = tpu.memref_slice %arg12[%add3A_37, %dma_start3A_46] : memref<10240x128xf32, #tpu.memory_space<vmem_shared>> -> memref<64x128xf32, #tpu.memory_space<vmem_shared>>
        tpu.enqueue_dma source(%dma_start3A_47 : memref<64x128xf32, #tpu.memory_space<vmem_shared>>) target(%arg11 : memref<64x128xf32, #tpu.memory_space<vmem>>) target_semaphore(%run_scoped3A_43 : memref<!tpu.dma_semaphore, #tpu.memory_space<semaphore_mem>>)
        %dma_wait3A_48 = arith.constant 0 : i32
        %dma_wait3A_49 = tpu.memref_slice %arg12[%add3A_37, %dma_wait3A_48] : memref<10240x128xf32, #tpu.memory_space<vmem_shared>> -> memref<64x128xf32, #tpu.memory_space<vmem_shared>>
        %dma_wait3A_50 = arith.constant 0 : i32
        %dma_wait3A_51 = tpu.memref_slice %arg12[%add3A_37, %dma_wait3A_50] : memref<10240x128xf32, #tpu.memory_space<vmem_shared>> -> memref<64x128xf32, #tpu.memory_space<vmem_shared>>
        tpu.wait_dma2 semaphore(%run_scoped3A_43 : memref<!tpu.dma_semaphore, #tpu.memory_space<semaphore_mem>>) src(%dma_wait3A_51 : memref<64x128xf32, #tpu.memory_space<vmem_shared>>) dst(%arg11 : memref<64x128xf32, #tpu.memory_space<vmem>>)
        tpu.yield
      }) : () -> ()
      %mul3A_38 = arith.constant 640 : i32
      %mul3A_39 = arith.muli %arg1, %mul3A_38 : i32
      %mul3A_40 = arith.constant 64 : i32
      %mul3A_41 = arith.muli %add3A_32, %mul3A_40 : i32
      %add3A_42 = arith.addi %mul3A_39, %mul3A_41 : i32
      "tpu.region"() ({
        %run_scoped3A_43 = tpu.sem_alloc : memref<!tpu.dma_semaphore, #tpu.memory_space<semaphore_mem>>
        %dma_start3A_44 = arith.constant 0 : i32
        %dma_start3A_45 = tpu.memref_slice %arg6[%arg0, %add3A_42, %dma_start3A_44] : memref<2x10240x128xf32, #tpu.memory_space<hbm>> -> memref<1x64x128xf32, #tpu.memory_space<hbm>>
        %dma_start3A_46 = tpu.memref_squeeze %dma_start3A_45 : memref<1x64x128xf32, #tpu.memory_space<hbm>> -> memref<64x128xf32, #tpu.memory_space<hbm>>
        %dma_start3A_47 = arith.constant 0 : i32
        %dma_start3A_48 = tpu.memref_slice %arg6[%arg0, %add3A_42, %dma_start3A_47] : memref<2x10240x128xf32, #tpu.memory_space<hbm>> -> memref<1x64x128xf32, #tpu.memory_space<hbm>>
        %dma_start3A_49 = tpu.memref_squeeze %dma_start3A_48 : memref<1x64x128xf32, #tpu.memory_space<hbm>> -> memref<64x128xf32, #tpu.memory_space<hbm>>
        tpu.enqueue_dma source(%arg11 : memref<64x128xf32, #tpu.memory_space<vmem>>) target(%dma_start3A_49 : memref<64x128xf32, #tpu.memory_space<hbm>>) target_semaphore(%run_scoped3A_43 : memref<!tpu.dma_semaphore, #tpu.memory_space<semaphore_mem>>)
        %dma_wait3A_50 = arith.constant 0 : i32
        %dma_wait3A_51 = tpu.memref_slice %arg6[%arg0, %add3A_42, %dma_wait3A_50] : memref<2x10240x128xf32, #tpu.memory_space<hbm>> -> memref<1x64x128xf32, #tpu.memory_space<hbm>>
        %dma_wait3A_52 = tpu.memref_squeeze %dma_wait3A_51 : memref<1x64x128xf32, #tpu.memory_space<hbm>> -> memref<64x128xf32, #tpu.memory_space<hbm>>
        %dma_wait3A_53 = arith.constant 0 : i32
        %dma_wait3A_54 = tpu.memref_slice %arg6[%arg0, %add3A_42, %dma_wait3A_53] : memref<2x10240x128xf32, #tpu.memory_space<hbm>> -> memref<1x64x128xf32, #tpu.memory_space<hbm>>
        %dma_wait3A_55 = tpu.memref_squeeze %dma_wait3A_54 : memref<1x64x128xf32, #tpu.memory_space<hbm>> -> memref<64x128xf32, #tpu.memory_space<hbm>>
        tpu.wait_dma2 semaphore(%run_scoped3A_43 : memref<!tpu.dma_semaphore, #tpu.memory_space<semaphore_mem>>) src(%arg11 : memref<64x128xf32, #tpu.memory_space<vmem>>) dst(%dma_wait3A_55 : memref<64x128xf32, #tpu.memory_space<hbm>>)
        tpu.yield
      }) : () -> ()
    }
    %scan3A_27 = arith.constant 10 : i32
    return
  }
}

module attributes {stable_mosaic.version = 14 : i64} {
  func.func @body(%arg0: i32, %arg1: memref<512x128xf32, #tpu.memory_space<vmem>>, %arg2: memref<512x1xf32, #tpu.memory_space<vmem>>, %arg3: memref<128x128xf32, #tpu.memory_space<vmem>>, %arg4: memref<512x128xf32, #tpu.memory_space<vmem>>) attributes {dimension_semantics = [#tpu.dimension_semantics<arbitrary>], iteration_bounds = array<i64: 20>, scalar_prefetch = 0 : i64, scratch_operands = 0 : i64, tpu.core_type = #tpu.core_type<tc>, window_params = [{transform_indices = @transform_0, window_bounds = array<i64: 512, 128>}, {transform_indices = @transform_1, window_bounds = array<i64: 512, 1>}, {pipeline_mode = #tpu.pipeline_mode<synchronous>, transform_indices = @transform_2, window_bounds = array<i64: 128, 128>}, {transform_indices = @transform_3, window_bounds = array<i64: 512, 128>}]} {
    %get3A = arith.constant 0 : index
    %get3A_0 = arith.constant 0 : index
    %get3A_1 = vector.load %arg2[%get3A, %get3A_0] : memref<512x1xf32, #tpu.memory_space<vmem>>, vector<512x1xf32>
    %max3A = arith.constant 1.000000e+00 : f32
    %max3A_2 = vector.broadcast %max3A : f32 to vector<512x1xf32>
    %max3A_3 = arith.maximumf %get3A_1, %max3A_2 : vector<512x1xf32>
    %rsqrt3A = math.rsqrt %max3A_3 : vector<512x1xf32>
    %get3A_4 = arith.constant 0 : index
    %get3A_5 = arith.constant 0 : index
    %get3A_6 = vector.load %arg1[%get3A_4, %get3A_5] : memref<512x128xf32, #tpu.memory_space<vmem>>, vector<512x128xf32>
    %mul3A = vector.broadcast %rsqrt3A : vector<512x1xf32> to vector<512x128xf32>
    %mul3A_7 = arith.mulf %get3A_6, %mul3A : vector<512x128xf32>
    %get3A_8 = arith.constant 0 : index
    %get3A_9 = arith.constant 0 : index
    %get3A_10 = vector.load %arg3[%get3A_8, %get3A_9] : memref<128x128xf32, #tpu.memory_space<vmem>>, vector<128x128xf32>
    %dot_general3A = arith.constant dense<0.000000e+00> : vector<512x128xf32>
    %dot_general3A_11 = tpu.matmul %mul3A_7, %get3A_10, %dot_general3A {dimension_numbers = #tpu.dot_dimension_numbers<[1], [0], [0], [1], [0, 0, 1, 1], [], []>, transpose_lhs_hint = false} : vector<512x128xf32>, vector<128x128xf32>, vector<512x128xf32> -> vector<512x128xf32>
    %swap3A = arith.constant 0 : index
    %swap3A_12 = arith.constant 0 : index
    %swap3A_13 = vector.load %arg4[%swap3A, %swap3A_12] : memref<512x128xf32, #tpu.memory_space<vmem>>, vector<512x128xf32>
    tpu.vector_store %arg4[%swap3A, %swap3A_12], %dot_general3A_11 {strides = array<i32>} : memref<512x128xf32, #tpu.memory_space<vmem>>, vector<512x128xf32>,
    return
  }
  func.func @transform_0(%arg0: i32) -> (i32, i32) {
    %c0_i32 = arith.constant 0 : i32
    %c0_i32_0 = arith.constant 0 : i32
    return %arg0, %c0_i32 : i32, i32
  }
  func.func @transform_1(%arg0: i32) -> (i32, i32) {
    %c0_i32 = arith.constant 0 : i32
    %c0_i32_0 = arith.constant 0 : i32
    return %arg0, %c0_i32 : i32, i32
  }
  func.func @transform_2(%arg0: i32) -> (i32, i32) {
    %c0_i32 = arith.constant 0 : i32
    %c0_i32_0 = arith.constant 0 : i32
    %c0_i32_1 = arith.constant 0 : i32
    return %c0_i32, %c0_i32_0 : i32, i32
  }
  func.func @transform_3(%arg0: i32) -> (i32, i32) {
    %c0_i32 = arith.constant 0 : i32
    %c0_i32_0 = arith.constant 0 : i32
    return %arg0, %c0_i32 : i32, i32
  }
}

module attributes {stable_mosaic.version = 14 : i64} {
  func.func @body(%arg0: i32, %arg1: memref<2x512x128xf32, #tpu.memory_space<vmem>>, %arg2: memref<512x1xf32, #tpu.memory_space<vmem>>, %arg3: memref<512x1xf32, #tpu.memory_space<vmem>>, %arg4: memref<1x128xf32, #tpu.memory_space<vmem>>, %arg5: memref<128x40xf32, #tpu.memory_space<vmem>>, %arg6: memref<512x40xf32, #tpu.memory_space<vmem>>) attributes {dimension_semantics = [#tpu.dimension_semantics<arbitrary>], iteration_bounds = array<i64: 20>, scalar_prefetch = 0 : i64, scratch_operands = 0 : i64, tpu.core_type = #tpu.core_type<tc>, window_params = [{transform_indices = @transform_0, window_bounds = array<i64: 2, 512, 128>}, {transform_indices = @transform_1, window_bounds = array<i64: 512, 1>}, {transform_indices = @transform_2, window_bounds = array<i64: 512, 1>}, {pipeline_mode = #tpu.pipeline_mode<synchronous>, transform_indices = @transform_3, window_bounds = array<i64: 1, 128>}, {pipeline_mode = #tpu.pipeline_mode<synchronous>, transform_indices = @transform_4, window_bounds = array<i64: 128, 40>}, {transform_indices = @transform_5, window_bounds = array<i64: 512, 40>}]} {
    %get3A = arith.constant 0 : index
    %get3A_0 = arith.constant 0 : index
    %get3A_1 = arith.constant 0 : index
    %get3A_2 = vector.load %arg1[%get3A, %get3A_0, %get3A_1] : memref<2x512x128xf32, #tpu.memory_space<vmem>>, vector<1x512x128xf32>
    %get3A_3 = vector.shape_cast %get3A_2 : vector<1x512x128xf32> to vector<512x128xf32>
    %get3A_4 = arith.constant 1 : index
    %get3A_5 = arith.constant 0 : index
    %get3A_6 = arith.constant 0 : index
    %get3A_7 = vector.load %arg1[%get3A_4, %get3A_5, %get3A_6] : memref<2x512x128xf32, #tpu.memory_space<vmem>>, vector<1x512x128xf32>
    %get3A_8 = vector.shape_cast %get3A_7 : vector<1x512x128xf32> to vector<512x128xf32>
    %add3A = arith.addf %get3A_3, %get3A_8 : vector<512x128xf32>
    %get3A_9 = arith.constant 0 : index
    %get3A_10 = arith.constant 0 : index
    %get3A_11 = vector.load %arg2[%get3A_9, %get3A_10] : memref<512x1xf32, #tpu.memory_space<vmem>>, vector<512x1xf32>
    %max3A = arith.constant 1.000000e+00 : f32
    %max3A_12 = vector.broadcast %max3A : f32 to vector<512x1xf32>
    %max3A_13 = arith.maximumf %get3A_11, %max3A_12 : vector<512x1xf32>
    %rsqrt3A = math.rsqrt %max3A_13 : vector<512x1xf32>
    %mul3A = vector.broadcast %rsqrt3A : vector<512x1xf32> to vector<512x128xf32>
    %mul3A_14 = arith.mulf %add3A, %mul3A : vector<512x128xf32>
    %get3A_15 = arith.constant 0 : index
    %get3A_16 = arith.constant 0 : index
    %get3A_17 = vector.load %arg4[%get3A_15, %get3A_16] : memref<1x128xf32, #tpu.memory_space<vmem>>, vector<1x128xf32>
    %add3A_18 = vector.broadcast %get3A_17 : vector<1x128xf32> to vector<512x128xf32>
    %add3A_19 = arith.addf %mul3A_14, %add3A_18 : vector<512x128xf32>
    %max3A_20 = arith.constant 0.000000e+00 : f32
    %max3A_21 = vector.broadcast %max3A_20 : f32 to vector<512x128xf32>
    %max3A_22 = arith.maximumf %add3A_19, %max3A_21 : vector<512x128xf32>
    %get3A_23 = arith.constant 0 : index
    %get3A_24 = arith.constant 0 : index
    %get3A_25 = vector.load %arg3[%get3A_23, %get3A_24] : memref<512x1xf32, #tpu.memory_space<vmem>>, vector<512x1xf32>
    %max3A_26 = arith.constant 1.000000e+00 : f32
    %max3A_27 = vector.broadcast %max3A_26 : f32 to vector<512x1xf32>
    %max3A_28 = arith.maximumf %get3A_25, %max3A_27 : vector<512x1xf32>
    %rsqrt3A_29 = math.rsqrt %max3A_28 : vector<512x1xf32>
    %mul3A_30 = vector.broadcast %rsqrt3A_29 : vector<512x1xf32> to vector<512x128xf32>
    %mul3A_31 = arith.mulf %max3A_22, %mul3A_30 : vector<512x128xf32>
    %get3A_32 = arith.constant 0 : index
    %get3A_33 = arith.constant 0 : index
    %get3A_34 = vector.load %arg5[%get3A_32, %get3A_33] : memref<128x40xf32, #tpu.memory_space<vmem>>, vector<128x40xf32>
    %dot_general3A = arith.constant dense<0.000000e+00> : vector<512x40xf32>
    %dot_general3A_35 = tpu.matmul %mul3A_31, %get3A_34, %dot_general3A {dimension_numbers = #tpu.dot_dimension_numbers<[1], [0], [0], [1], [0, 0, 1, 1], [], []>, transpose_lhs_hint = false} : vector<512x128xf32>, vector<128x40xf32>, vector<512x40xf32> -> vector<512x40xf32>
    %swap3A = arith.constant 0 : index
    %swap3A_36 = arith.constant 0 : index
    %swap3A_37 = vector.load %arg6[%swap3A, %swap3A_36] : memref<512x40xf32, #tpu.memory_space<vmem>>, vector<512x40xf32>
    tpu.vector_store %arg6[%swap3A, %swap3A_36], %dot_general3A_35 {strides = array<i32>} : memref<512x40xf32, #tpu.memory_space<vmem>>, vector<512x40xf32>,
    return
  }
  func.func @transform_0(%arg0: i32) -> (i32, i32, i32) {
    %c0_i32 = arith.constant 0 : i32
    %c0_i32_0 = arith.constant 0 : i32
    %c0_i32_1 = arith.constant 0 : i32
    return %c0_i32, %arg0, %c0_i32_0 : i32, i32, i32
  }
  func.func @transform_1(%arg0: i32) -> (i32, i32) {
    %c0_i32 = arith.constant 0 : i32
    %c0_i32_0 = arith.constant 0 : i32
    return %arg0, %c0_i32 : i32, i32
  }
  func.func @transform_2(%arg0: i32) -> (i32, i32) {
    %c0_i32 = arith.constant 0 : i32
    %c0_i32_0 = arith.constant 0 : i32
    return %arg0, %c0_i32 : i32, i32
  }
  func.func @transform_3(%arg0: i32) -> (i32, i32) {
    %c0_i32 = arith.constant 0 : i32
    %c0_i32_0 = arith.constant 0 : i32
    %c0_i32_1 = arith.constant 0 : i32
    return %c0_i32, %c0_i32_0 : i32, i32
  }
  func.func @transform_4(%arg0: i32) -> (i32, i32) {
    %c0_i32 = arith.constant 0 : i32
    %c0_i32_0 = arith.constant 0 : i32
    %c0_i32_1 = arith.constant 0 : i32
    return %c0_i32, %c0_i32_0 : i32, i32
  }
  func.func @transform_5(%arg0: i32) -> (i32, i32) {
    %c0_i32 = arith.constant 0 : i32
    %c0_i32_0 = arith.constant 0 : i32
    return %arg0, %c0_i32 : i32, i32
  }
}

module attributes {stable_mosaic.version = 14 : i64} {
  func.func @body(%arg0: i32, %arg1: memref<2x512x40xf32, #tpu.memory_space<vmem>>, %arg2: memref<512x1xf32, #tpu.memory_space<vmem>>, %arg3: memref<1x40xf32, #tpu.memory_space<vmem>>, %arg4: memref<512x40xf32, #tpu.memory_space<vmem>>) attributes {dimension_semantics = [#tpu.dimension_semantics<arbitrary>], iteration_bounds = array<i64: 20>, scalar_prefetch = 0 : i64, scratch_operands = 0 : i64, tpu.core_type = #tpu.core_type<tc>, window_params = [{transform_indices = @transform_0, window_bounds = array<i64: 2, 512, 40>}, {transform_indices = @transform_1, window_bounds = array<i64: 512, 1>}, {pipeline_mode = #tpu.pipeline_mode<synchronous>, transform_indices = @transform_2, window_bounds = array<i64: 1, 40>}, {transform_indices = @transform_3, window_bounds = array<i64: 512, 40>}]} {
    %get3A = arith.constant 0 : index
    %get3A_0 = arith.constant 0 : index
    %get3A_1 = arith.constant 0 : index
    %get3A_2 = vector.load %arg1[%get3A, %get3A_0, %get3A_1] : memref<2x512x40xf32, #tpu.memory_space<vmem>>, vector<1x512x40xf32>
    %get3A_3 = vector.shape_cast %get3A_2 : vector<1x512x40xf32> to vector<512x40xf32>
    %get3A_4 = arith.constant 1 : index
    %get3A_5 = arith.constant 0 : index
    %get3A_6 = arith.constant 0 : index
    %get3A_7 = vector.load %arg1[%get3A_4, %get3A_5, %get3A_6] : memref<2x512x40xf32, #tpu.memory_space<vmem>>, vector<1x512x40xf32>
    %get3A_8 = vector.shape_cast %get3A_7 : vector<1x512x40xf32> to vector<512x40xf32>
    %add3A = arith.addf %get3A_3, %get3A_8 : vector<512x40xf32>
    %get3A_9 = arith.constant 0 : index
    %get3A_10 = arith.constant 0 : index
    %get3A_11 = vector.load %arg2[%get3A_9, %get3A_10] : memref<512x1xf32, #tpu.memory_space<vmem>>, vector<512x1xf32>
    %max3A = arith.constant 1.000000e+00 : f32
    %max3A_12 = vector.broadcast %max3A : f32 to vector<512x1xf32>
    %max3A_13 = arith.maximumf %get3A_11, %max3A_12 : vector<512x1xf32>
    %rsqrt3A = math.rsqrt %max3A_13 : vector<512x1xf32>
    %mul3A = vector.broadcast %rsqrt3A : vector<512x1xf32> to vector<512x40xf32>
    %mul3A_14 = arith.mulf %add3A, %mul3A : vector<512x40xf32>
    %get3A_15 = arith.constant 0 : index
    %get3A_16 = arith.constant 0 : index
    %get3A_17 = vector.load %arg3[%get3A_15, %get3A_16] : memref<1x40xf32, #tpu.memory_space<vmem>>, vector<1x40xf32>
    %add3A_18 = vector.broadcast %get3A_17 : vector<1x40xf32> to vector<512x40xf32>
    %add3A_19 = arith.addf %mul3A_14, %add3A_18 : vector<512x40xf32>
    %swap3A = arith.constant 0 : index
    %swap3A_20 = arith.constant 0 : index
    %swap3A_21 = vector.load %arg4[%swap3A, %swap3A_20] : memref<512x40xf32, #tpu.memory_space<vmem>>, vector<512x40xf32>
    tpu.vector_store %arg4[%swap3A, %swap3A_20], %add3A_19 {strides = array<i32>} : memref<512x40xf32, #tpu.memory_space<vmem>>, vector<512x40xf32>,
    return
  }
  func.func @transform_0(%arg0: i32) -> (i32, i32, i32) {
    %c0_i32 = arith.constant 0 : i32
    %c0_i32_0 = arith.constant 0 : i32
    %c0_i32_1 = arith.constant 0 : i32
    return %c0_i32, %arg0, %c0_i32_0 : i32, i32, i32
  }
  func.func @transform_1(%arg0: i32) -> (i32, i32) {
    %c0_i32 = arith.constant 0 : i32
    %c0_i32_0 = arith.constant 0 : i32
    return %arg0, %c0_i32 : i32, i32
  }
  func.func @transform_2(%arg0: i32) -> (i32, i32) {
    %c0_i32 = arith.constant 0 : i32
    %c0_i32_0 = arith.constant 0 : i32
    %c0_i32_1 = arith.constant 0 : i32
    return %c0_i32, %c0_i32_0 : i32, i32
  }
  func.func @transform_3(%arg0: i32) -> (i32, i32) {
    %c0_i32 = arith.constant 0 : i32
    %c0_i32_0 = arith.constant 0 : i32
    return %arg0, %c0_i32 : i32, i32
  }
}

</mosaic_0001>

<sc_bundles>
// kernel: kernel.11.cloned.1.call-start
scs
__scs_entry_jumppad:
0x0: {  	(pc) =	sbr.rel $0x88, $3  }
0x1: {  	(tag) =	ssettag $0x0;
	lr =	simm.s32 $0x1  }
0x2: {  	[smem:$0x3F9B] =	sst lr;
	_ =	strace $0xD0000000  }
0x3: {  	_ = 	snop  }
0x4: {  	_ = 	snop  }
0x5: {  	_ = 	snop  }
0x6: {  	_ = 	snop  }
0x7: {  	_ = 	snop  }
__scs_overlays_trampoline_lowered:
0x8: {  	[smem:$0x3FAA] =	sst s0  }
0x9: {  	[smem:$0x3FAB] =	sst s1  }
0xa: {  	[smem:$0x3FAC] =	sst s2  }
0xb: {  	[smem:$0x3FAD] =	sst s3  }
0xc: {  	[smem:$0x3FAE] =	sst s4  }
0xd: {  	[smem:$0x3FAF] =	sst s5  }
0xe: {  	[smem:$0x3FB0] =	sst s6  }
0xf: {  	[smem:$0x3FB1] =	sst s7  }
0x10: {  	[smem:$0x3FB2] =	sst s8  }
0x11: {  	[smem:$0x3FB3] =	sst s9;
	s0 =	simm.s32 @!p0 $0x0  }
0x12: {  	s1 =	sld [smem:$0x3F99];
	s0 =	simm.s32 @p0 $0x1  }
0x13: {  	[smem:$0x3FB4] =	sst s0;
	s0 =	simm.s32 @!p1 $0x0  }
0x14: {  	s2 =	sld [smem:$0x3F98];
	s0 =	simm.s32 @p1 $0x1  }
0x15: {  	[smem:$0x3FB5] =	sst s0;
	s0 =	simm.s32 @!p2 $0x0  }
0x16: {  	s3 =	sld [smem:$0x3FDB];
	s0 =	simm.s32 @p2 $0x1  }
0x17: {  	s4 =	simm.s32 $0x1BF5;
	[smem:$0x3FB7] =	sst s0  }
0x18: {  	s0 =	sld [smem:$0x3F9A];
	_ =	swait.ge [sflag:s4], $0x0  }
0x19: {  	s7 =	sld [smem:$0x3F9B]  }
0x1a: {  	s8 =	sadd.s32 $0xFFFFE003, lr  }
0x1b: {  	s9 =	sadd.s32 $0xFFFFFEF7, lr;
	s5 =	simm.s32 $0xFFFFFFFF;
	p2 =	slt.u32 s8, $0xFFFFF086  }
0x1c: {  	p1 =	slt.u32 s9, $0xF7A;
	s5 =	simm.s32 @!p2 $0x0  }
0x1d: {  	s5 =	simm.s32 @p1 $0x1;
	p0 =	seq.s32 s7, s2  }
0x1e: {  	s7 =	smul.u32 @!p0 $0xF7A, s2;
	p2 =	seq.s32 @!p0 s5, $0x0  }
0x1f: {  	s9 =	smul.u32 $0xF7A, s1;
	s8 =	simm.s32 @!p0 $0x1BF5;
	p2 =	por !p2, p0  }
0x20: {  	[sflag:s8] =	ssyncset.s32 @!p0 $0xFFFFF086;
	s6 =	sadd.s32 @!p0 s3, s7;
	s7 =	simm.s32 @!p0 $0x108  }
0x21: {  	s3 =	sadd.s32 s3, s9;
	s6 =	sadd.s32 @!p0 $0x88, s6;
	s7 =	simm.s32 @p2 $0x1082  }
0x22: {  	[simem:s7], [sflag:s8] =	dma.local @!p0 [hbm:s6], $0xF7A  }
0x23: {  	s9 =	sor.u32 $0xD0000000, s2;
	s6 =	simm.s32 $0x108;
	_ =	swait.ge @!p0 [sflag:s8], $0x0  }
0x24: {  	s3 =	sadd.s32 $0x88, s3;
	s6 =	simm.s32 @!p1 $0x1082;
	[sflag:s4] =	ssyncset.s32 $0xFFFFF086  }
0x25: {  	[simem:s6], [sflag:s4] =	dma.local [hbm:s3], $0xF7A  }
0x26: {  	[smem:$0x3F9B] =	sst s1;
	(tag) =	ssettag s2;
	_ =	strace s9  }
0x27: {  	s1 =	sld [smem:$0x3FAB]  }
0x28: {  	s2 =	sld [smem:$0x3FAC]  }
0x29: {  	s4 =	sld [smem:$0x3FAE]  }
0x2a: {  	p0 =	seq.s32 s5, $0x0;
	s5 =	sld [smem:$0x3FAF]  }
0x2b: {  	s6 =	sld [smem:$0x3FB0]  }
0x2c: {  	s7 =	sld [smem:$0x3FB1]  }
0x2d: {  	s3 =	simm.s32 $0x108;
	s8 =	sld [smem:$0x3FB2]  }
0x2e: {  	s3 =	simm.s32 @!p0 $0x1082;
	s9 =	sld [smem:$0x3FB3]  }
0x2f: {  	lr =	sadd.s32 s0, s3;
	s0 =	sld [smem:$0x3FAA]  }
0x30: {  	s3 =	sld [smem:$0x3FAD]  }
0x31: {  	[smem:$0x3FB6] =	sst s10  }
0x32: {  	s10 =	sld [smem:$0x3FB4];
	_ =	sdelay $0x3  }
0x33: {  	p0 =	seq.s32 s10, $0x1;
	s10 =	sld [smem:$0x3FB6];
	_ =	sdelay $0x3  }
0x34: {  	[smem:$0x3FB6] =	sst s10  }
0x35: {  	s10 =	sld [smem:$0x3FB5];
	_ =	sdelay $0x3  }
0x36: {  	p1 =	seq.s32 s10, $0x1;
	s10 =	sld [smem:$0x3FB6];
	_ =	sdelay $0x3  }
0x37: {  	[smem:$0x3FB6] =	sst s10  }
0x38: {  	s10 =	sld [smem:$0x3FB7]  }
0x39: {  	_ = 	snop;
	(pc) =	sbr.ind lr, $3  }
0x3a: {  	_ = 	snop  }
0x3b: {  	_ = 	snop  }
0x3c: {  	p2 =	seq.s32 s10, $0x1;
	s10 =	sld [smem:$0x3FB6]  }
0x3d: {  	_ =	shalt  }
0x3e: {  	_ =	shalt  }
0x3f: {  	_ =	shalt  }
0x40: {  	_ =	shalt  }
0x41: {  	_ =	shalt  }
0x42: {  	_ =	shalt  }
0x43: {  	_ =	shalt  }
0x44: {  	_ =	shalt  }
0x45: {  	_ =	shalt  }
0x46: {  	_ =	shalt  }
0x47: {  	_ =	shalt  }
0x48: {  	_ =	shalt  }
0x49: {  	_ =	shalt  }
0x4a: {  	_ =	shalt  }
0x4b: {  	_ =	shalt  }
0x4c: {  	_ =	shalt  }
0x4d: {  	_ =	shalt  }
0x4e: {  	_ =	shalt  }
0x4f: {  	_ =	shalt  }
0x50: {  	_ =	shalt  }
0x51: {  	_ =	shalt  }
0x52: {  	_ =	shalt  }
0x53: {  	_ =	shalt  }
0x54: {  	_ =	shalt  }
0x55: {  	_ =	shalt  }
0x56: {  	_ =	shalt  }
0x57: {  	_ =	shalt  }
0x58: {  	_ =	shalt  }
0x59: {  	_ =	shalt  }
0x5a: {  	_ =	shalt  }
0x5b: {  	_ =	shalt  }
0x5c: {  	_ =	shalt  }
0x5d: {  	_ =	shalt  }
0x5e: {  	_ =	shalt  }
0x5f: {  	_ =	shalt  }
0x60: {  	_ =	shalt  }
0x61: {  	_ =	shalt  }
0x62: {  	_ =	shalt  }
0x63: {  	_ =	shalt  }
0x64: {  	_ =	shalt  }
0x65: {  	_ =	shalt  }
0x66: {  	_ =	shalt  }
0x67: {  	_ =	shalt  }
0x68: {  	_ =	shalt  }
0x69: {  	_ =	shalt  }
0x6a: {  	_ =	shalt  }
0x6b: {  	_ =	shalt  }
0x6c: {  	_ =	shalt  }
0x6d: {  	_ =	shalt  }
0x6e: {  	_ =	shalt  }
0x6f: {  	_ =	shalt  }
0x70: {  	_ =	shalt  }
0x71: {  	_ =	shalt  }
0x72: {  	_ =	shalt  }
0x73: {  	_ =	shalt  }
0x74: {  	_ =	shalt  }
0x75: {  	_ =	shalt  }
0x76: {  	_ =	shalt  }
0x77: {  	_ =	shalt  }
0x78: {  	_ =	shalt  }
0x79: {  	_ =	shalt  }
0x7a: {  	_ =	shalt  }
0x7b: {  	_ =	shalt  }
0x7c: {  	_ =	shalt  }
0x7d: {  	_ =	shalt  }
0x7e: {  	_ =	shalt  }
0x7f: {  	_ =	shalt  }
0x80: {  	_ =	shalt  }
0x81: {  	_ =	shalt  }
0x82: {  	_ =	shalt  }
0x83: {  	_ =	shalt  }
0x84: {  	_ =	shalt  }
0x85: {  	_ =	shalt  }
0x86: {  	_ =	shalt  }
0x87: {  	_ =	shalt  }
.Lfunc_end0:
.L_simem_size_0:
called_computation.1_lowered:
.L_overlay_start_0:
0x88: {  	s2 =	sld [smem:$0x3FD9]  }
0x89: {  	s3 =	sld [smem:$0x3FFE];
	_ =	sdelay $0x1  }
0x8a: {  	s1 =	srdreg.scid  }
0x8b: {  	s0 =	sand.u32 $0x1, s1  }
0x8c: {  	s17 =	sshll.u32 s0, $0xA;
	s2 =	sadd.s32 s3, s2  }
0x8d: {  	s2 =	sadd.s32 s2, s17  }
0x8e: {  	[smem:$0x3FC2] =	sst s2  }
0x8f: {  	_ = 	snop  }
0x90: {  	s2 =	sld [smem:$0x3FD0];
	(tm) =	ssettm $0x1  }
0x91: {  	s18 =	sld [smem:$0x3FFB];
	_ =	sdelay $0x3  }
0x92: {  	_ =	strace s18  }
0x93: {  	s3 =	sld [smem:$0x3FFC];
	_ =	sdelay $0x3  }
0x94: {  	_ =	strace s3  }
0x95: {  	s3 =	sld [smem:$0x3FFD];
	_ =	sdelay $0x3  }
0x96: {  	_ =	strace s3  }
0x97: {  	_ =	strace $0x8FFFFFFF  }
0x98: {  	s19 =	sld [smem:$0x3FDB];
	_ =	sdelay $0x1  }
0x99: {  	s4 =	simm.s32 $_scs_section_size  }
0x9a: {  	s5 =	simm.s32 $_size__tile_overlayer_lowered;
	s6 =	simm.s32 $_tile_overlayer_lowered  }
0x9b: {  	s22 =	simm.s32 $0x1BFF;
	s21 =	sshll.u32 s6, $0x1;
	s3 =	sadd.s32 s4, s19  }
0x9c: {  	s7 =	simm.s32 $0x0;
	s20 =	sshll.u32 s5, $0x1;
	s5 =	sadd.s32 s21, s3  }
0x9d: {  	[timem:s7], [sflag:s22] =	dma.local [hbm:s5], s20  }
0x9e: {  	_ =	swait.ge [sflag:s22], s20  }
0x9f: {  	s4 =	ssub.s32 $0x0, s20;
	[sflag:s22] =	ssyncset.done $0x0  }
0xa0: {  	[sflag:s22] =	ssyncadd.s32 s4;
	_ =	sdelay $0x1  }
0xa1: {  	s23 =	simm.s32 $0x1B8B  }
0xa2: {  	_ =	swait.ge [sflag:s23], $0x1  }
0xa3: {  	[sflag:s23] =	ssyncset.done $0x0  }
0xa4: {  	s25 =	simm.s32 $0x1B8E;
	s24 =	sld [smem:$0x3FFE];
	[sflag:s23] =	ssyncadd.s32 $0xFFFFFFFF  }
0xa5: {  	s26 =	simm.s32 $execute0_lowered;
	[smem:$0x3FD2] =	sst s25  }
0xa6: {  	s5 =	sshll.u32 s26, $0x1;
	_ =	strace $0x80000049;
	[dreg:$0x1] =	wrdreg $0xFFFFFFFF  }
0xa7: {  	s28 =	simm.s32 $_size_execute0_lowered;
	s3 =	sadd.s32 s3, s5;
	[dreg:$0x0] =	wrdreg $0x0  }
0xa8: {  	s5 =	sshll.u32 s28, $0x1;
	[dreg:$0x2] =	wrdreg s3  }
0xa9: {  	[dreg:$0x3] =	wrdreg s5  }
0xaa: {  	[dreg:$0x4] =	wrdreg $0xC0  }
0xab: {  	_ =	task [dreg:s7], $0x5FFFF  }
0xac: {  	[dreg:$0x1] =	wrdreg $0xFFFFFFFF  }
0xad: {  	[dreg:$0x0] =	wrdreg $0x60  }
0xae: {  	[dreg:$0x2] =	wrdreg s24  }
0xaf: {  	[dreg:$0x3] =	wrdreg s2  }
0xb0: {  	[dreg:$0x4] =	wrdreg $0xBE200  }
0xb1: {  	[dreg:$0x5] =	wrdreg $0x9  }
0xb2: {  	_ =	task.clear_ibuf [dreg:s7], $0x6FFFF;
	_ =	strace $0x90000049  }
0xb3: {  	s29 =	simm.s32 $0x9;
	_ =	strace $0x8000004B  }
0xb4: {  	_ =	swait.ge [sflag:s29], $0x1  }
0xb5: {  	[sflag:s29] =	ssyncadd.s32 $0xFFFFFFFF  }
0xb6: {  	_ =	strace $0x9000004B  }
0xb7: {  	_ =	sfence  }
0xb8: {  	s30 =	sld [smem:$0x0];
	_ =	sdelay $0x2  }
0xb9: {  	s31 =	sshll.u32 s1, $0xD;
	s1 =	sshrl.u32 s1, $0x2  }
0xba: {  	s3 =	sand.u32 $0x4000, s31;
	s1 =	sadd.s32 s1, s30  }
0xbb: {  	s0 =	sor.u32 s3, s0;
	s1 =	sshll.u32 s1, $0x11  }
0xbc: {  	s0 =	sor.u32 s1, s0  }
0xbd: {  	s0 =	sadd.s32 $0x8F2B, s0  }
0xbe: {  	[sflag:s0] =	ssyncadd.remote.s32 $0x1  }
0xbf: {  	_ =	sfence.sel $0xFFFF  }
0xc0: {  	[dreg:$0x0] =	wrdreg $0xFFFFFFFF;
	(pc) =	sbr.abs _section_cstart, $3  }
0xc1: {  	[dreg:$0x1] =	wrdreg $0xFFFFFFFF  }
0xc2: {  	_ =	task.clear_ibuf [dreg:s7], $0x2FFFF;
	_ =	strace $0x9FFFFFFF  }
0xc3: {  	(tm) =	ssettm $0x7FFFFFFF  }
tec
execute0_lowered:
.L_overlay_start_1:
0x0: {  	(tag) =	ssettag $0x1  }
0x1: {  	s0 =	rddreg [dreg:$0x0]  }
0x2: {  	s1 =	srdreg.scid;
	s15 =	stileid.u32;
	s2 =	simm.s32 $0x0  }
0x3: {  	s1 =	sand.u32 $0x1, s1;
	s4 =	smul.u32 $0x14000, s15;
	[smem:$0x7FF] =	sst s2  }
0x4: {  	s3 =	sshll.u32 s1, $0x4;
	s5 =	smul.u32 $0x140000, s1;
	s1 =	ssub.s32 $0x2, s1  }
0x5: {  	s6 =	sadd.s32 $0x51000, s0;
	s3 =	sor.u32 s15, s3;
	s7 =	sshrl.u32 s1, $0x1  }
0x6: {  	s9 =	sor.u32 $0x2000, s4;
	s10 =	sadd.s32 $0x6000, s4;
	s13 =	sadd.s32 $0x8000, s4  }
0x7: {  	s3 =	smul.u32 $0x4E2, s3;
	s8 =	sadd.s32 s5, s4;
	s1 =	ssub.s32 s1, s7  }
0x8: {  	s16 =	sadd.s32 s5, s9;
	s11 =	sadd.s32 s5, s10;
	s20 =	sadd.s32 s5, s13  }
0x9: {  	s14 =	sshrl.u32 s8, $0x3;
	s17 =	sshrl.u32 s16, $0x3;
	s8 =	sadd.s32 $0x4000, s4  }
0xa: {  	s19 =	sshrl.u32 s11, $0x3;
	s21 =	sshrl.u32 s20, $0x3;
	s11 =	sadd.s32 $0xA000, s4  }
0xb: {  	s16 =	smul.u32 $0x50000, s15;
	s15 =	sadd.s32 $0x29E00, s0;
	s7 =	sadd.s32 s6, s14  }
0xc: {  	s18 =	sadd.s32 s5, s8;
	s22 =	sadd.s32 s5, s11;
	s14 =	sadd.s32 $0xC000, s4  }
0xd: {  	s3 =	sadd.s32 s3, s0;
	[dreg:$0x4] =	wrdreg s7;
	s7 =	sadd.s32 s6, s17  }
0xe: {  	s12 =	sadd.s32 s5, s14;
	s17 =	sadd.s32 $0xE000, s4;
	s20 =	sadd.s32 $0x16200, s3  }
0xf: {  	[dreg:$0x5] =	wrdreg s7;
	s7 =	sshrl.u32 s18, $0x3;
	s23 =	sshrl.u32 s12, $0x3  }
0x10: {  	s24 =	sadd.s32 s5, s17;
	s12 =	rddreg [dreg:$0x2];
	s7 =	sadd.s32 s6, s7  }
0x11: {  	s18 =	sadd.s32 $0x10000, s4;
	[dreg:$0x6] =	wrdreg s7;
	s7 =	sadd.s32 s6, s19  }
0x12: {  	s25 =	sshrl.u32 s24, $0x3;
	[dreg:$0x7] =	wrdreg s7;
	s7 =	sadd.s32 s6, s21  }
0x13: {  	s26 =	sadd.s32 s5, s18;
	[dreg:$0x8] =	wrdreg s7;
	s7 =	sshrl.u32 s22, $0x3  }
0x14: {  	s24 =	sadd.s32 s8, s12;
	s19 =	sadd.s32 $0x12000, s4;
	s7 =	sadd.s32 s6, s7  }
0x15: {  	s5 =	sadd.s32 s5, s19;
	[dreg:$0x9] =	wrdreg s7;
	s7 =	sadd.s32 s6, s23  }
0x16: {  	s5 =	sshrl.u32 s5, $0x3;
	[dreg:$0xa] =	wrdreg s7;
	s7 =	sadd.s32 s6, s25  }
0x17: {  	s5 =	sadd.s32 s6, s5;
	[dreg:$0xb] =	wrdreg s7;
	s7 =	sshrl.u32 s26, $0x3  }
0x18: {  	s28 =	sadd.s32 s17, s12;
	[dreg:$0xd] =	wrdreg s5;
	s7 =	sadd.s32 s6, s7  }
0x19: {  	s29 =	sadd.s32 s18, s12;
	[dreg:$0xc] =	wrdreg s7;
	s7 =	sadd.s32 $0x20000, s3  }
0x1a: {  	s8 =	simm.s32 $0x9E20;
	_ =	strace $0x8000004A;
	[dreg:$0xe] =	wrdreg s7  }
0x1b: {  	s17 =	simm.s32 $0x1;
	s21 =	sadd.s32 s4, s12;
	[dreg:$0xf] =	wrdreg s20  }
0x1c: {  	s18 =	simm.s32 $0x2;
	s22 =	smax.u32 s1, $0x1;
	[dreg:$0x10] =	wrdreg s21  }
0x1d: {  	s30 =	sadd.s32 s19, s12;
	s23 =	sadd.s32 s9, s12;
	[dreg:$0x11] =	wrdreg s22  }
0x1e: {  	s19 =	simm.s32 $0x0;
	s9 =	simm.s32 $0x3;
	[dreg:$0x12] =	wrdreg s23  }
0x1f: {  	s25 =	sadd.s32 s10, s12;
	s10 =	simm.s32 $0x50;
	[dreg:$0x13] =	wrdreg s24  }
0x20: {  	s26 =	sadd.s32 s13, s12;
	s6 =	sshrl.u32 s16, $0x2;
	[dreg:$0x14] =	wrdreg s25  }
0x21: {  	s13 =	simm.s32 $0x4E20;
	s16 =	sadd.s32 s6, s12;
	[dreg:$0x15] =	wrdreg s26  }
0x22: {  	s25 =	sadd.s32 s11, s12;
	s26 =	sadd.s32 s14, s12;
	s31 =	sadd.s32 $0x2000, s16  }
0x23: {  	s11 =	sadd.s32 $0x4000, s16;
	s0 =	sadd.s32 $0x6000, s16;
	s1 =	sadd.s32 $0x8000, s16  }
0x24: {  	s3 =	sadd.s32 $0xA000, s16;
	s4 =	sadd.s32 $0xC000, s16;
	s5 =	sadd.s32 $0xE000, s16  }
0x25: {  	s6 =	sadd.s32 $0x10000, s16;
	s7 =	sadd.s32 $0x12000, s16;
	s14 =	simm.s32 $0x7620  }
.LBB2_1:
0x26: {  	s20 =	rddreg [dreg:$0x1]  }
0x27: {  	[tilespmem:s8], [sflag:$0x3] =	stream.linear.gather [hbm4b:s20+s2], $0x2000, $0x38;
	[tilespmem:$0x1FE20] =	vst v63  }
0x28: {  	_ =	swait.ge [sflag:s9], $0x2000  }
0x29: {  	[sflag:s9] =	ssyncset.done $0x0  }
0x2a: {  	[sflag:s9] =	ssyncadd.s32 $0xFFFFE000  }
0x2b: {  	[spmem:s16] =	stream.linear.scatter [tilespmem:s8], [sflag:$0x3], $0x2000, $0x38;
	[tilespmem:$0x1FE20] =	vst v63  }
0x2c: {  	_ =	swait.ge [sflag:s9], $0x2000  }
0x2d: {  	[sflag:s9] =	ssyncset.done $0x0  }
0x2e: {  	[sflag:s9] =	ssyncadd.s32 $0xFFFFE000  }
0x2f: {  	[spmem:s31] =	stream.linear.scatter [tilespmem:s8], [sflag:$0x3], $0x2000, $0x38;
	[tilespmem:$0x1FE20] =	vst v63  }
0x30: {  	_ =	swait.ge [sflag:s9], $0x2000  }
0x31: {  	[sflag:s9] =	ssyncset.done $0x0  }
0x32: {  	[sflag:s9] =	ssyncadd.s32 $0xFFFFE000  }
0x33: {  	[spmem:s11] =	stream.linear.scatter [tilespmem:s8], [sflag:$0x3], $0x2000, $0x38;
	[tilespmem:$0x1FE20] =	vst v63  }
0x34: {  	_ =	swait.ge [sflag:s9], $0x2000  }
0x35: {  	[sflag:s9] =	ssyncset.done $0x0  }
0x36: {  	[sflag:s9] =	ssyncadd.s32 $0xFFFFE000  }
0x37: {  	[spmem:s0] =	stream.linear.scatter [tilespmem:s8], [sflag:$0x3], $0x2000, $0x38;
	[tilespmem:$0x1FE20] =	vst v63  }
0x38: {  	_ =	swait.ge [sflag:s9], $0x2000  }
0x39: {  	[sflag:s9] =	ssyncset.done $0x0  }
0x3a: {  	[sflag:s9] =	ssyncadd.s32 $0xFFFFE000  }
0x3b: {  	[spmem:s1] =	stream.linear.scatter [tilespmem:s8], [sflag:$0x3], $0x2000, $0x38;
	[tilespmem:$0x1FE20] =	vst v63  }
0x3c: {  	_ =	swait.ge [sflag:s9], $0x2000  }
0x3d: {  	[sflag:s9] =	ssyncset.done $0x0  }
0x3e: {  	[sflag:s9] =	ssyncadd.s32 $0xFFFFE000  }
0x3f: {  	[spmem:s3] =	stream.linear.scatter [tilespmem:s8], [sflag:$0x3], $0x2000, $0x38;
	[tilespmem:$0x1FE20] =	vst v63  }
0x40: {  	_ =	swait.ge [sflag:s9], $0x2000  }
0x41: {  	[sflag:s9] =	ssyncset.done $0x0  }
0x42: {  	[sflag:s9] =	ssyncadd.s32 $0xFFFFE000  }
0x43: {  	[spmem:s4] =	stream.linear.scatter [tilespmem:s8], [sflag:$0x3], $0x2000, $0x38;
	[tilespmem:$0x1FE20] =	vst v63  }
0x44: {  	_ =	swait.ge [sflag:s9], $0x2000  }
0x45: {  	[sflag:s9] =	ssyncset.done $0x0  }
0x46: {  	[sflag:s9] =	ssyncadd.s32 $0xFFFFE000  }
0x47: {  	[spmem:s5] =	stream.linear.scatter [tilespmem:s8], [sflag:$0x3], $0x2000, $0x38;
	[tilespmem:$0x1FE20] =	vst v63  }
0x48: {  	_ =	swait.ge [sflag:s9], $0x2000  }
0x49: {  	[sflag:s9] =	ssyncset.done $0x0  }
0x4a: {  	[sflag:s9] =	ssyncadd.s32 $0xFFFFE000  }
0x4b: {  	[spmem:s6] =	stream.linear.scatter [tilespmem:s8], [sflag:$0x3], $0x2000, $0x38;
	[tilespmem:$0x1FE20] =	vst v63  }
0x4c: {  	_ =	swait.ge [sflag:s9], $0x2000  }
0x4d: {  	[sflag:s9] =	ssyncset.done $0x0  }
0x4e: {  	[sflag:s9] =	ssyncadd.s32 $0xFFFFE000  }
0x4f: {  	[spmem:s7] =	stream.linear.scatter [tilespmem:s8], [sflag:$0x3], $0x2000, $0x38;
	[tilespmem:$0x1FE20] =	vst v63  }
0x50: {  	_ =	swait.ge [sflag:s9], $0x2000  }
0x51: {  	[sflag:s9] =	ssyncset.done $0x0  }
0x52: {  	s23 =	rddreg [dreg:$0xe];
	[sflag:s9] =	ssyncadd.s32 $0xFFFFE000  }
0x53: {  	[tilespmem:s2], [sflag:$0x3] =	stream.linear.gather [hbm4b:s23+s2], $0x2710, $0x38;
	[tilespmem:$0x1FE20] =	vst v63  }
0x54: {  	_ =	swait.ge [sflag:s9], $0x2710  }
0x55: {  	[sflag:s9] =	ssyncset.done $0x0  }
0x56: {  	s21 =	simm.s32 $0x2710;
	s24 =	rddreg [dreg:$0xf];
	[sflag:s9] =	ssyncadd.s32 $0xFFFFD8F0  }
0x57: {  	[tilespmem:s21], [sflag:$0x3] =	stream.linear.gather [hbm4b:s24+s2], $0x2710, $0x38;
	[tilespmem:$0x1FE20] =	vst v63  }
0x58: {  	_ =	swait.ge [sflag:s9], $0x2710  }
0x59: {  	[sflag:s9] =	ssyncset.done $0x0  }
0x5a: {  	[sflag:s9] =	ssyncadd.s32 $0xFFFFD8F0  }
0x5b: {  	[bflag:$0x0] =	sbarrier.arrive $0xFFFF  }
0x5c: {  	[tilespmem:s13], [sflag:$0x1] =	stream.indirect.gather [hbm4b:s15+s10], $0x80, s2, s10, $0xb8;
	[tilespmem:$0x1FE20] =	vst v63  }
0x5d: {  	s21 =	simm.s32 $0x50  }
0x5e: {  	[tilespmem:s14], [sflag:$0x2] =	stream.indirect.gather [hbm4b:s15+s10], $0x80, s21, s10, $0xb8;
	[tilespmem:$0x1FE20] =	vst v63  }
0x5f: {  	_ =	swait.ge [sflag:s17], $0x2800  }
0x60: {  	[sflag:s17] =	ssyncset.done $0x0  }
0x61: {  	s22 =	simm.s32 $0x2710;
	[sflag:s17] =	ssyncadd.s32 $0xFFFFD800  }
0x62: {  	[spmem:s12] =	stream.indirect.scatter.add.f32 [tilespmem:s13], [sflag:$0x3], $0x80, s22, s10, $0xb8;
	[tilespmem:$0x1FE20] =	vst v63  }
0x63: {  	_ =	swait.ge [sflag:s9], $0x2800  }
0x64: {  	[sflag:s9] =	ssyncset.done $0x0  }
0x65: {  	s23 =	simm.s32 $0xA0;
	[sflag:s9] =	ssyncadd.s32 $0xFFFFD800  }
0x66: {  	[tilespmem:s13], [sflag:$0x1] =	stream.indirect.gather [hbm4b:s15+s10], $0x80, s23, s10, $0xb8;
	[tilespmem:$0x1FE20] =	vst v63  }
0x67: {  	_ =	swait.ge [sflag:s18], $0x2800  }
0x68: {  	[sflag:s18] =	ssyncset.done $0x0  }
0x69: {  	s24 =	simm.s32 $0x2760;
	[sflag:s18] =	ssyncadd.s32 $0xFFFFD800  }
0x6a: {  	[spmem:s12] =	stream.indirect.scatter.add.f32 [tilespmem:s14], [sflag:$0x3], $0x80, s24, s10, $0xb8;
	[tilespmem:$0x1FE20] =	vst v63  }
0x6b: {  	_ =	swait.ge [sflag:s9], $0x2800  }
0x6c: {  	s20 =	simm.s32 $0xA0;
	s21 =	simm.s32 $0x500;
	[sflag:s9] =	ssyncset.done $0x0  }
.LBB2_2:
0x6d: {  	s22 =	sadd.s32 $0x50, s20  }
0x6e: {  	[sflag:s9] =	ssyncadd.s32 $0xFFFFD800;
	s23 =	smov.u32 s21;
	s24 =	sadd.s32 $0x280, s21  }
0x6f: {  	[tilespmem:s14], [sflag:$0x2] =	stream.indirect.gather [hbm4b:s15+s10], $0x80, s22, s10, $0xb8;
	[tilespmem:$0x1FE20] =	vst v63  }
0x70: {  	p0 =	sne.s32 s21, $0x9880;
	_ =	swait.ge [sflag:s17], $0x2800  }
0x71: {  	[sflag:s17] =	ssyncset.done $0x0  }
0x72: {  	s21 =	sadd.s32 $0x2710, s20;
	[sflag:s17] =	ssyncadd.s32 $0xFFFFD800  }
0x73: {  	[spmem:s12] =	stream.indirect.scatter.add.f32 [tilespmem:s13], [sflag:$0x3], $0x80, s21, s10, $0xb8;
	[tilespmem:$0x1FE20] =	vst v63  }
0x74: {  	_ =	swait.ge [sflag:s9], $0x2800  }
0x75: {  	[sflag:s9] =	ssyncset.done $0x0  }
0x76: {  	s21 =	sadd.s32 $0xA0, s20;
	[sflag:s9] =	ssyncadd.s32 $0xFFFFD800  }
0x77: {  	[tilespmem:s13], [sflag:$0x1] =	stream.indirect.gather [hbm4b:s15+s10], $0x80, s21, s10, $0xb8;
	[tilespmem:$0x1FE20] =	vst v63  }
0x78: {  	_ =	swait.ge [sflag:s18], $0x2800  }
.Ltmp0:
0x79: {  	[sflag:s18] =	ssyncset.done $0x0;
	(pc) =	sbr.rel @p0 .LBB2_2-.Ltmp0, $4  }
0x7a: {  	s20 =	sadd.s32 $0x2760, s20;
	[sflag:s18] =	ssyncadd.s32 $0xFFFFD800  }
0x7b: {  	[spmem:s12] =	stream.indirect.scatter.add.f32 [tilespmem:s14], [sflag:$0x3], $0x80, s20, s10, $0xb8;
	[tilespmem:$0x1FE20] =	vst v63  }
0x7c: {  	_ =	swait.ge [sflag:s9], $0x2800  }
0x7d: {  	s21 =	smov.u32 s24;
	s20 =	sshra.s32 s23, $0x2;
	[sflag:s9] =	ssyncset.done $0x0  }
0x7e: {  	s21 =	sadd.s32 $0x50, s20;
	[sflag:s9] =	ssyncadd.s32 $0xFFFFD800  }
0x7f: {  	[tilespmem:s14], [sflag:$0x2] =	stream.indirect.gather [hbm4b:s15+s10], $0x80, s21, s10, $0xb8;
	[tilespmem:$0x1FE20] =	vst v63  }
0x80: {  	_ =	swait.ge [sflag:s17], $0x2800  }
0x81: {  	[sflag:s17] =	ssyncset.done $0x0  }
0x82: {  	s24 =	sadd.s32 $0x2710, s20;
	[sflag:s17] =	ssyncadd.s32 $0xFFFFD800  }
0x83: {  	[spmem:s12] =	stream.indirect.scatter.add.f32 [tilespmem:s13], [sflag:$0x3], $0x80, s24, s10, $0xb8;
	[tilespmem:$0x1FE20] =	vst v63  }
0x84: {  	_ =	swait.ge [sflag:s9], $0x2800  }
0x85: {  	[sflag:s9] =	ssyncset.done $0x0  }
0x86: {  	s22 =	sadd.s32 $0xA0, s20;
	[sflag:s9] =	ssyncadd.s32 $0xFFFFD800  }
0x87: {  	[tilespmem:s13], [sflag:$0x1] =	stream.indirect.gather [hbm4b:s15+s10], $0x80, s22, s10, $0xb8;
	[tilespmem:$0x1FE20] =	vst v63  }
0x88: {  	_ =	swait.ge [sflag:s18], $0x2800  }
0x89: {  	[sflag:s18] =	ssyncset.done $0x0  }
0x8a: {  	s23 =	sadd.s32 $0x2760, s20;
	[sflag:s18] =	ssyncadd.s32 $0xFFFFD800  }
0x8b: {  	[spmem:s12] =	stream.indirect.scatter.add.f32 [tilespmem:s14], [sflag:$0x3], $0x80, s23, s10, $0xb8;
	[tilespmem:$0x1FE20] =	vst v63  }
0x8c: {  	_ =	swait.ge [sflag:s9], $0x2800  }
0x8d: {  	[sflag:s9] =	ssyncset.done $0x0  }
0x8e: {  	[sflag:s9] =	ssyncadd.s32 $0xFFFFD800  }
0x8f: {  	_ =	swait.ge [sflag:s17], $0x2800  }
0x90: {  	[sflag:s17] =	ssyncset.done $0x0  }
0x91: {  	s24 =	simm.s32 $0x4DD0;
	[sflag:s17] =	ssyncadd.s32 $0xFFFFD800  }
0x92: {  	[spmem:s12] =	stream.indirect.scatter.add.f32 [tilespmem:s13], [sflag:$0x3], $0x80, s24, s10, $0xb8;
	[tilespmem:$0x1FE20] =	vst v63  }
0x93: {  	_ =	swait.ge [sflag:s9], $0x2800  }
0x94: {  	[sflag:s9] =	ssyncset.done $0x0  }
0x95: {  	[sflag:s9] =	ssyncadd.s32 $0xFFFFD800  }
0x96: {  	[bflag:$0x0] =	sbarrier.arrive $0xFFFF  }
0x97: {  	s21 =	rddreg [dreg:$0x10]  }
0x98: {  	[tilespmem:s8], [sflag:$0x3] =	stream.linear.gather [spmem:s21], $0x2000, $0x38;
	[tilespmem:$0x1FE20] =	vst v63  }
0x99: {  	_ =	swait.ge [sflag:s9], $0x2000  }
0x9a: {  	[sflag:s9] =	ssyncset.done $0x0  }
0x9b: {  	s22 =	rddreg [dreg:$0x4];
	[sflag:s9] =	ssyncadd.s32 $0xFFFFE000  }
0x9c: {  	[hbm4b:s22+s2] =	stream.linear.scatter [tilespmem:s8], [sflag:$0x3], $0x2000, $0x38;
	[tilespmem:$0x1FE20] =	vst v63  }
0x9d: {  	_ =	swait.ge [sflag:s9], $0x2000  }
0x9e: {  	[sflag:s9] =	ssyncset.done $0x0  }
0x9f: {  	s23 =	rddreg [dreg:$0x12];
	[sflag:s9] =	ssyncadd.s32 $0xFFFFE000  }
0xa0: {  	[tilespmem:s8], [sflag:$0x3] =	stream.linear.gather [spmem:s23], $0x2000, $0x38;
	[tilespmem:$0x1FE20] =	vst v63  }
0xa1: {  	_ =	swait.ge [sflag:s9], $0x2000  }
0xa2: {  	[sflag:s9] =	ssyncset.done $0x0  }
0xa3: {  	s24 =	rddreg [dreg:$0x5];
	[sflag:s9] =	ssyncadd.s32 $0xFFFFE000  }
0xa4: {  	[hbm4b:s24+s2] =	stream.linear.scatter [tilespmem:s8], [sflag:$0x3], $0x2000, $0x38;
	[tilespmem:$0x1FE20] =	vst v63  }
0xa5: {  	_ =	swait.ge [sflag:s9], $0x2000  }
0xa6: {  	[sflag:s9] =	ssyncset.done $0x0  }
0xa7: {  	s21 =	rddreg [dreg:$0x13];
	[sflag:s9] =	ssyncadd.s32 $0xFFFFE000  }
0xa8: {  	[tilespmem:s8], [sflag:$0x3] =	stream.linear.gather [spmem:s21], $0x2000, $0x38;
	[tilespmem:$0x1FE20] =	vst v63  }
0xa9: {  	_ =	swait.ge [sflag:s9], $0x2000  }
0xaa: {  	[sflag:s9] =	ssyncset.done $0x0  }
0xab: {  	s22 =	rddreg [dreg:$0x6];
	[sflag:s9] =	ssyncadd.s32 $0xFFFFE000  }
0xac: {  	[hbm4b:s22+s2] =	stream.linear.scatter [tilespmem:s8], [sflag:$0x3], $0x2000, $0x38;
	[tilespmem:$0x1FE20] =	vst v63  }
0xad: {  	_ =	swait.ge [sflag:s9], $0x2000  }
0xae: {  	[sflag:s9] =	ssyncset.done $0x0  }
0xaf: {  	s23 =	rddreg [dreg:$0x14];
	[sflag:s9] =	ssyncadd.s32 $0xFFFFE000  }
0xb0: {  	[tilespmem:s8], [sflag:$0x3] =	stream.linear.gather [spmem:s23], $0x2000, $0x38;
	[tilespmem:$0x1FE20] =	vst v63  }
0xb1: {  	_ =	swait.ge [sflag:s9], $0x2000  }
0xb2: {  	[sflag:s9] =	ssyncset.done $0x0  }
0xb3: {  	s24 =	rddreg [dreg:$0x7];
	[sflag:s9] =	ssyncadd.s32 $0xFFFFE000  }
0xb4: {  	[hbm4b:s24+s2] =	stream.linear.scatter [tilespmem:s8], [sflag:$0x3], $0x2000, $0x38;
	[tilespmem:$0x1FE20] =	vst v63  }
0xb5: {  	_ =	swait.ge [sflag:s9], $0x2000  }
0xb6: {  	[sflag:s9] =	ssyncset.done $0x0  }
0xb7: {  	s21 =	rddreg [dreg:$0x15];
	[sflag:s9] =	ssyncadd.s32 $0xFFFFE000  }
0xb8: {  	[tilespmem:s8], [sflag:$0x3] =	stream.linear.gather [spmem:s21], $0x2000, $0x38;
	[tilespmem:$0x1FE20] =	vst v63  }
0xb9: {  	_ =	swait.ge [sflag:s9], $0x2000  }
0xba: {  	[sflag:s9] =	ssyncset.done $0x0  }
0xbb: {  	s22 =	rddreg [dreg:$0x8];
	[sflag:s9] =	ssyncadd.s32 $0xFFFFE000  }
0xbc: {  	[hbm4b:s22+s2] =	stream.linear.scatter [tilespmem:s8], [sflag:$0x3], $0x2000, $0x38;
	[tilespmem:$0x1FE20] =	vst v63  }
0xbd: {  	_ =	swait.ge [sflag:s9], $0x2000  }
0xbe: {  	[sflag:s9] =	ssyncset.done $0x0  }
0xbf: {  	[sflag:s9] =	ssyncadd.s32 $0xFFFFE000  }
0xc0: {  	[tilespmem:s8], [sflag:$0x3] =	stream.linear.gather [spmem:s25], $0x2000, $0x38;
	[tilespmem:$0x1FE20] =	vst v63  }
0xc1: {  	_ =	swait.ge [sflag:s9], $0x2000  }
0xc2: {  	[sflag:s9] =	ssyncset.done $0x0  }
0xc3: {  	s23 =	rddreg [dreg:$0x9];
	[sflag:s9] =	ssyncadd.s32 $0xFFFFE000  }
0xc4: {  	[hbm4b:s23+s2] =	stream.linear.scatter [tilespmem:s8], [sflag:$0x3], $0x2000, $0x38;
	[tilespmem:$0x1FE20] =	vst v63  }
0xc5: {  	_ =	swait.ge [sflag:s9], $0x2000  }
0xc6: {  	[sflag:s9] =	ssyncset.done $0x0  }
0xc7: {  	[sflag:s9] =	ssyncadd.s32 $0xFFFFE000  }
0xc8: {  	[tilespmem:s8], [sflag:$0x3] =	stream.linear.gather [spmem:s26], $0x2000, $0x38;
	[tilespmem:$0x1FE20] =	vst v63  }
0xc9: {  	_ =	swait.ge [sflag:s9], $0x2000  }
0xca: {  	[sflag:s9] =	ssyncset.done $0x0  }
0xcb: {  	s24 =	rddreg [dreg:$0xa];
	[sflag:s9] =	ssyncadd.s32 $0xFFFFE000  }
0xcc: {  	[hbm4b:s24+s2] =	stream.linear.scatter [tilespmem:s8], [sflag:$0x3], $0x2000, $0x38;
	[tilespmem:$0x1FE20] =	vst v63  }
0xcd: {  	_ =	swait.ge [sflag:s9], $0x2000  }
0xce: {  	[sflag:s9] =	ssyncset.done $0x0  }
0xcf: {  	[sflag:s9] =	ssyncadd.s32 $0xFFFFE000  }
0xd0: {  	[tilespmem:s8], [sflag:$0x3] =	stream.linear.gather [spmem:s28], $0x2000, $0x38;
	[tilespmem:$0x1FE20] =	vst v63  }
0xd1: {  	_ =	swait.ge [sflag:s9], $0x2000  }
0xd2: {  	[sflag:s9] =	ssyncset.done $0x0  }
0xd3: {  	s21 =	rddreg [dreg:$0xb];
	[sflag:s9] =	ssyncadd.s32 $0xFFFFE000  }
0xd4: {  	[hbm4b:s21+s2] =	stream.linear.scatter [tilespmem:s8], [sflag:$0x3], $0x2000, $0x38;
	[tilespmem:$0x1FE20] =	vst v63  }
0xd5: {  	_ =	swait.ge [sflag:s9], $0x2000  }
0xd6: {  	[sflag:s9] =	ssyncset.done $0x0  }
0xd7: {  	[sflag:s9] =	ssyncadd.s32 $0xFFFFE000  }
0xd8: {  	[tilespmem:s8], [sflag:$0x3] =	stream.linear.gather [spmem:s29], $0x2000, $0x38;
	[tilespmem:$0x1FE20] =	vst v63  }
0xd9: {  	_ =	swait.ge [sflag:s9], $0x2000  }
0xda: {  	[sflag:s9] =	ssyncset.done $0x0  }
0xdb: {  	s22 =	rddreg [dreg:$0xc];
	[sflag:s9] =	ssyncadd.s32 $0xFFFFE000  }
0xdc: {  	[hbm4b:s22+s2] =	stream.linear.scatter [tilespmem:s8], [sflag:$0x3], $0x2000, $0x38;
	[tilespmem:$0x1FE20] =	vst v63  }
0xdd: {  	_ =	swait.ge [sflag:s9], $0x2000  }
0xde: {  	[sflag:s9] =	ssyncset.done $0x0  }
0xdf: {  	[sflag:s9] =	ssyncadd.s32 $0xFFFFE000  }
0xe0: {  	[tilespmem:s8], [sflag:$0x3] =	stream.linear.gather [spmem:s30], $0x2000, $0x38;
	[tilespmem:$0x1FE20] =	vst v63  }
0xe1: {  	_ =	swait.ge [sflag:s9], $0x2000  }
0xe2: {  	[sflag:s9] =	ssyncset.done $0x0  }
0xe3: {  	s23 =	rddreg [dreg:$0xd];
	[sflag:s9] =	ssyncadd.s32 $0xFFFFE000  }
0xe4: {  	[hbm4b:s23+s2] =	stream.linear.scatter [tilespmem:s8], [sflag:$0x3], $0x2000, $0x38;
	[tilespmem:$0x1FE20] =	vst v63  }
0xe5: {  	_ =	swait.ge [sflag:s9], $0x2000  }
0xe6: {  	s19 =	sadd.s32 $0x1, s19;
	s24 =	rddreg [dreg:$0x11]  }
0xe7: {  	p0 =	sne.s32 s19, s24  }
.Ltmp1:
0xe8: {  	_ = 	snop;
	(pc) =	sbr.rel @p0 .LBB2_1-.Ltmp1, $3  }
0xe9: {  	_ =	sdelay $0x1  }
0xea: {  	[sflag:s9] =	ssyncset.done $0x0  }
0xeb: {  	[sflag:s9] =	ssyncadd.s32 $0xFFFFE000  }
0xec: {  	_ =	sfence.sel $0x180000  }
0xed: {  	[bflag:$0x0] =	sbarrier.arrive $0xFFFF  }
0xee: {  	_ =	strace $0x9000004A  }
0xef: {  	s0 =	stileid.u32;
	[bflag:$0x2] =	sbarrier.arrive $0xFFFF  }
0xf0: {  	p0 =	sne.s32 s0, $0x0;
	s0 =	rddreg [dreg:$0x3]  }
0xf1: {  	s0 =	sadd.s32 @!p0 $0x100000, s0  }
0xf2: {  	[sflag:s0] =	ssyncadd.tile.s32 @!p0 $0x1;
	_ =	shalt  }
.Lfunc_end2:
_tile_overlayer_lowered:
.L_overlay_start_2:
0xf3: {  	(tag) =	ssettag $0x2  }
0xf4: {  	s0 =	rddreg [dreg:$0x0];
	s2 =	stileid.u32  }
0xf5: {  	s1 =	rddreg [dreg:$0x1];
	p0 =	sne.s32 s2, $0x0  }
0xf6: {  	s3 =	rddreg [dreg:$0x2];
	[bflag:$0x3] =	sbarrier.arrive $0xFFFF;
	s2 =	simm.s32 @!p0 $0x1C03  }
0xf7: {  	[timem:s3], [sflag:s2] =	dma.local @!p0 [hbm:s0], s1  }
0xf8: {  	s0 =	simm.s32 @!p0 $0x3  }
0xf9: {  	_ =	swait.ge @!p0 [sflag:s0], s1  }
0xfa: {  	s1 =	ssub.s32 @!p0 $0x0, s1;
	[sflag:s0] =	ssyncset.done @!p0 $0x0  }
0xfb: {  	[sflag:s0] =	ssyncadd.s32 @!p0 s1  }
0xfc: {  	[bflag:$0x3] =	sbarrier.arrive $0xFFFF  }
0xfd: {  	_ =	shalt  }

// kernel: kernel.14.cloned.1.call-start
scs
__scs_entry_jumppad:
0x0: {  	(pc) =	sbr.rel $0x88, $3  }
0x1: {  	(tag) =	ssettag $0x0;
	lr =	simm.s32 $0x1  }
0x2: {  	[smem:$0x3F9B] =	sst lr;
	_ =	strace $0xD0000000  }
0x3: {  	_ = 	snop  }
0x4: {  	_ = 	snop  }
0x5: {  	_ = 	snop  }
0x6: {  	_ = 	snop  }
0x7: {  	_ = 	snop  }
__scs_overlays_trampoline_lowered:
0x8: {  	[smem:$0x3FAA] =	sst s0  }
0x9: {  	[smem:$0x3FAB] =	sst s1  }
0xa: {  	[smem:$0x3FAC] =	sst s2  }
0xb: {  	[smem:$0x3FAD] =	sst s3  }
0xc: {  	[smem:$0x3FAE] =	sst s4  }
0xd: {  	[smem:$0x3FAF] =	sst s5  }
0xe: {  	[smem:$0x3FB0] =	sst s6  }
0xf: {  	[smem:$0x3FB1] =	sst s7  }
0x10: {  	[smem:$0x3FB2] =	sst s8  }
0x11: {  	[smem:$0x3FB3] =	sst s9;
	s0 =	simm.s32 @!p0 $0x0  }
0x12: {  	s1 =	sld [smem:$0x3F99];
	s0 =	simm.s32 @p0 $0x1  }
0x13: {  	[smem:$0x3FB4] =	sst s0;
	s0 =	simm.s32 @!p1 $0x0  }
0x14: {  	s2 =	sld [smem:$0x3F98];
	s0 =	simm.s32 @p1 $0x1  }
0x15: {  	[smem:$0x3FB5] =	sst s0;
	s0 =	simm.s32 @!p2 $0x0  }
0x16: {  	s3 =	sld [smem:$0x3FDB];
	s0 =	simm.s32 @p2 $0x1  }
0x17: {  	s4 =	simm.s32 $0x1BF5;
	[smem:$0x3FB7] =	sst s0  }
0x18: {  	s0 =	sld [smem:$0x3F9A];
	_ =	swait.ge [sflag:s4], $0x0  }
0x19: {  	s7 =	sld [smem:$0x3F9B]  }
0x1a: {  	s8 =	sadd.s32 $0xFFFFE003, lr  }
0x1b: {  	s9 =	sadd.s32 $0xFFFFFEF7, lr;
	s5 =	simm.s32 $0xFFFFFFFF;
	p2 =	slt.u32 s8, $0xFFFFF086  }
0x1c: {  	p1 =	slt.u32 s9, $0xF7A;
	s5 =	simm.s32 @!p2 $0x0  }
0x1d: {  	s5 =	simm.s32 @p1 $0x1;
	p0 =	seq.s32 s7, s2  }
0x1e: {  	s7 =	smul.u32 @!p0 $0xF7A, s2;
	p2 =	seq.s32 @!p0 s5, $0x0  }
0x1f: {  	s9 =	smul.u32 $0xF7A, s1;
	s8 =	simm.s32 @!p0 $0x1BF5;
	p2 =	por !p2, p0  }
0x20: {  	[sflag:s8] =	ssyncset.s32 @!p0 $0xFFFFF086;
	s6 =	sadd.s32 @!p0 s3, s7;
	s7 =	simm.s32 @!p0 $0x108  }
0x21: {  	s3 =	sadd.s32 s3, s9;
	s6 =	sadd.s32 @!p0 $0x88, s6;
	s7 =	simm.s32 @p2 $0x1082  }
0x22: {  	[simem:s7], [sflag:s8] =	dma.local @!p0 [hbm:s6], $0xF7A  }
0x23: {  	s9 =	sor.u32 $0xD0000000, s2;
	s6 =	simm.s32 $0x108;
	_ =	swait.ge @!p0 [sflag:s8], $0x0  }
0x24: {  	s3 =	sadd.s32 $0x88, s3;
	s6 =	simm.s32 @!p1 $0x1082;
	[sflag:s4] =	ssyncset.s32 $0xFFFFF086  }
0x25: {  	[simem:s6], [sflag:s4] =	dma.local [hbm:s3], $0xF7A  }
0x26: {  	[smem:$0x3F9B] =	sst s1;
	(tag) =	ssettag s2;
	_ =	strace s9  }
0x27: {  	s1 =	sld [smem:$0x3FAB]  }
0x28: {  	s2 =	sld [smem:$0x3FAC]  }
0x29: {  	s4 =	sld [smem:$0x3FAE]  }
0x2a: {  	p0 =	seq.s32 s5, $0x0;
	s5 =	sld [smem:$0x3FAF]  }
0x2b: {  	s6 =	sld [smem:$0x3FB0]  }
0x2c: {  	s7 =	sld [smem:$0x3FB1]  }
0x2d: {  	s3 =	simm.s32 $0x108;
	s8 =	sld [smem:$0x3FB2]  }
0x2e: {  	s3 =	simm.s32 @!p0 $0x1082;
	s9 =	sld [smem:$0x3FB3]  }
0x2f: {  	lr =	sadd.s32 s0, s3;
	s0 =	sld [smem:$0x3FAA]  }
0x30: {  	s3 =	sld [smem:$0x3FAD]  }
0x31: {  	[smem:$0x3FB6] =	sst s10  }
0x32: {  	s10 =	sld [smem:$0x3FB4];
	_ =	sdelay $0x3  }
0x33: {  	p0 =	seq.s32 s10, $0x1;
	s10 =	sld [smem:$0x3FB6];
	_ =	sdelay $0x3  }
0x34: {  	[smem:$0x3FB6] =	sst s10  }
0x35: {  	s10 =	sld [smem:$0x3FB5];
	_ =	sdelay $0x3  }
0x36: {  	p1 =	seq.s32 s10, $0x1;
	s10 =	sld [smem:$0x3FB6];
	_ =	sdelay $0x3  }
0x37: {  	[smem:$0x3FB6] =	sst s10  }
0x38: {  	s10 =	sld [smem:$0x3FB7]  }
0x39: {  	_ = 	snop;
	(pc) =	sbr.ind lr, $3  }
0x3a: {  	_ = 	snop  }
0x3b: {  	_ = 	snop  }
0x3c: {  	p2 =	seq.s32 s10, $0x1;
	s10 =	sld [smem:$0x3FB6]  }
0x3d: {  	_ =	shalt  }
0x3e: {  	_ =	shalt  }
0x3f: {  	_ =	shalt  }
0x40: {  	_ =	shalt  }
0x41: {  	_ =	shalt  }
0x42: {  	_ =	shalt  }
0x43: {  	_ =	shalt  }
0x44: {  	_ =	shalt  }
0x45: {  	_ =	shalt  }
0x46: {  	_ =	shalt  }
0x47: {  	_ =	shalt  }
0x48: {  	_ =	shalt  }
0x49: {  	_ =	shalt  }
0x4a: {  	_ =	shalt  }
0x4b: {  	_ =	shalt  }
0x4c: {  	_ =	shalt  }
0x4d: {  	_ =	shalt  }
0x4e: {  	_ =	shalt  }
0x4f: {  	_ =	shalt  }
0x50: {  	_ =	shalt  }
0x51: {  	_ =	shalt  }
0x52: {  	_ =	shalt  }
0x53: {  	_ =	shalt  }
0x54: {  	_ =	shalt  }
0x55: {  	_ =	shalt  }
0x56: {  	_ =	shalt  }
0x57: {  	_ =	shalt  }
0x58: {  	_ =	shalt  }
0x59: {  	_ =	shalt  }
0x5a: {  	_ =	shalt  }
0x5b: {  	_ =	shalt  }
0x5c: {  	_ =	shalt  }
0x5d: {  	_ =	shalt  }
0x5e: {  	_ =	shalt  }
0x5f: {  	_ =	shalt  }
0x60: {  	_ =	shalt  }
0x61: {  	_ =	shalt  }
0x62: {  	_ =	shalt  }
0x63: {  	_ =	shalt  }
0x64: {  	_ =	shalt  }
0x65: {  	_ =	shalt  }
0x66: {  	_ =	shalt  }
0x67: {  	_ =	shalt  }
0x68: {  	_ =	shalt  }
0x69: {  	_ =	shalt  }
0x6a: {  	_ =	shalt  }
0x6b: {  	_ =	shalt  }
0x6c: {  	_ =	shalt  }
0x6d: {  	_ =	shalt  }
0x6e: {  	_ =	shalt  }
0x6f: {  	_ =	shalt  }
0x70: {  	_ =	shalt  }
0x71: {  	_ =	shalt  }
0x72: {  	_ =	shalt  }
0x73: {  	_ =	shalt  }
0x74: {  	_ =	shalt  }
0x75: {  	_ =	shalt  }
0x76: {  	_ =	shalt  }
0x77: {  	_ =	shalt  }
0x78: {  	_ =	shalt  }
0x79: {  	_ =	shalt  }
0x7a: {  	_ =	shalt  }
0x7b: {  	_ =	shalt  }
0x7c: {  	_ =	shalt  }
0x7d: {  	_ =	shalt  }
0x7e: {  	_ =	shalt  }
0x7f: {  	_ =	shalt  }
0x80: {  	_ =	shalt  }
0x81: {  	_ =	shalt  }
0x82: {  	_ =	shalt  }
0x83: {  	_ =	shalt  }
0x84: {  	_ =	shalt  }
0x85: {  	_ =	shalt  }
0x86: {  	_ =	shalt  }
0x87: {  	_ =	shalt  }
.Lfunc_end0:
.L_simem_size_0:
called_computation.2_lowered:
.L_overlay_start_0:
0x88: {  	s2 =	sld [smem:$0x3FD9]  }
0x89: {  	s3 =	sld [smem:$0x3FFE];
	_ =	sdelay $0x1  }
0x8a: {  	s1 =	srdreg.scid  }
0x8b: {  	s0 =	sand.u32 $0x1, s1  }
0x8c: {  	s17 =	sshll.u32 s0, $0xA;
	s2 =	sadd.s32 s3, s2  }
0x8d: {  	s2 =	sadd.s32 s2, s17  }
0x8e: {  	[smem:$0x3FC2] =	sst s2  }
0x8f: {  	_ = 	snop  }
0x90: {  	s2 =	sld [smem:$0x3FD0];
	(tm) =	ssettm $0x1  }
0x91: {  	s18 =	sld [smem:$0x3FFB];
	_ =	sdelay $0x3  }
0x92: {  	_ =	strace s18  }
0x93: {  	s3 =	sld [smem:$0x3FFC];
	_ =	sdelay $0x3  }
0x94: {  	_ =	strace s3  }
0x95: {  	s3 =	sld [smem:$0x3FFD];
	_ =	sdelay $0x3  }
0x96: {  	_ =	strace s3  }
0x97: {  	_ =	strace $0x8FFFFFFF  }
0x98: {  	s19 =	sld [smem:$0x3FDB];
	_ =	sdelay $0x1  }
0x99: {  	s4 =	simm.s32 $_scs_section_size  }
0x9a: {  	s5 =	simm.s32 $_size__tile_overlayer_lowered;
	s6 =	simm.s32 $_tile_overlayer_lowered  }
0x9b: {  	s22 =	simm.s32 $0x1BFF;
	s21 =	sshll.u32 s6, $0x1;
	s3 =	sadd.s32 s4, s19  }
0x9c: {  	s7 =	simm.s32 $0x0;
	s20 =	sshll.u32 s5, $0x1;
	s5 =	sadd.s32 s21, s3  }
0x9d: {  	[timem:s7], [sflag:s22] =	dma.local [hbm:s5], s20  }
0x9e: {  	_ =	swait.ge [sflag:s22], s20  }
0x9f: {  	s4 =	ssub.s32 $0x0, s20;
	[sflag:s22] =	ssyncset.done $0x0  }
0xa0: {  	[sflag:s22] =	ssyncadd.s32 s4;
	_ =	sdelay $0x1  }
0xa1: {  	s23 =	simm.s32 $0x1B8B  }
0xa2: {  	_ =	swait.ge [sflag:s23], $0x1  }
0xa3: {  	[sflag:s23] =	ssyncset.done $0x0  }
0xa4: {  	s25 =	simm.s32 $0x1B8E;
	s24 =	sld [smem:$0x3FFE];
	[sflag:s23] =	ssyncadd.s32 $0xFFFFFFFF  }
0xa5: {  	s26 =	simm.s32 $execute0_lowered;
	[smem:$0x3FD2] =	sst s25  }
0xa6: {  	s5 =	sshll.u32 s26, $0x1;
	_ =	strace $0x8000004C;
	[dreg:$0x1] =	wrdreg $0xFFFFFFFF  }
0xa7: {  	s28 =	simm.s32 $_size_execute0_lowered;
	s3 =	sadd.s32 s3, s5;
	[dreg:$0x0] =	wrdreg $0x0  }
0xa8: {  	s5 =	sshll.u32 s28, $0x1;
	[dreg:$0x2] =	wrdreg s3  }
0xa9: {  	[dreg:$0x3] =	wrdreg s5  }
0xaa: {  	[dreg:$0x4] =	wrdreg $0xC0  }
0xab: {  	_ =	task [dreg:s7], $0x5FFFF  }
0xac: {  	[dreg:$0x1] =	wrdreg $0xFFFFFFFF  }
0xad: {  	[dreg:$0x0] =	wrdreg $0x60  }
0xae: {  	[dreg:$0x2] =	wrdreg s2  }
0xaf: {  	[dreg:$0x3] =	wrdreg s24  }
0xb0: {  	[dreg:$0x4] =	wrdreg $0x7B200  }
0xb1: {  	[dreg:$0x5] =	wrdreg $0x9  }
0xb2: {  	_ =	task.clear_ibuf [dreg:s7], $0x6FFFF;
	_ =	strace $0x9000004C  }
0xb3: {  	s29 =	simm.s32 $0x9;
	_ =	strace $0x8000004E  }
0xb4: {  	_ =	swait.ge [sflag:s29], $0x1  }
0xb5: {  	[sflag:s29] =	ssyncadd.s32 $0xFFFFFFFF  }
0xb6: {  	_ =	strace $0x9000004E  }
0xb7: {  	_ =	sfence  }
0xb8: {  	s30 =	sld [smem:$0x0];
	_ =	sdelay $0x2  }
0xb9: {  	s31 =	sshll.u32 s1, $0xD;
	s1 =	sshrl.u32 s1, $0x2  }
0xba: {  	s3 =	sand.u32 $0x4000, s31;
	s1 =	sadd.s32 s1, s30  }
0xbb: {  	s0 =	sor.u32 s3, s0;
	s1 =	sshll.u32 s1, $0x11  }
0xbc: {  	s0 =	sor.u32 s1, s0  }
0xbd: {  	s0 =	sadd.s32 $0x8F2B, s0  }
0xbe: {  	[sflag:s0] =	ssyncadd.remote.s32 $0x1  }
0xbf: {  	_ =	sfence.sel $0xFFFF  }
0xc0: {  	[dreg:$0x0] =	wrdreg $0xFFFFFFFF;
	(pc) =	sbr.abs _section_cstart, $3  }
0xc1: {  	[dreg:$0x1] =	wrdreg $0xFFFFFFFF  }
0xc2: {  	_ =	task.clear_ibuf [dreg:s7], $0x2FFFF;
	_ =	strace $0x9FFFFFFF  }
0xc3: {  	(tm) =	ssettm $0x7FFFFFFF  }
tec
execute0_lowered:
.L_overlay_start_1:
0x0: {  	(tag) =	ssettag $0x1  }
0x1: {  	s0 =	srdreg.scid;
	s1 =	rddreg [dreg:$0x0]  }
0x2: {  	s2 =	rddreg [dreg:$0x1];
	s10 =	stileid.u32  }
0x3: {  	s3 =	rddreg [dreg:$0x2];
	s28 =	simm.s32 $0x50;
	s29 =	simm.s32 $0x4E20  }
0x4: {  	s30 =	simm.s32 $0x5AA0;
	s31 =	simm.s32 $0x1;
	s6 =	smul.u32 $0x280, s10  }
0x5: {  	s0 =	sand.u32 $0x1, s0;
	s7 =	sadd.s32 $0x1E00, s2;
	s19 =	smul.u32 $0x6400, s10  }
0x6: {  	s4 =	sshll.u32 s0, $0x4;
	s14 =	ssub.s32 $0x2, s0;
	s0 =	smul.u32 $0x64000, s0  }
0x7: {  	s5 =	sor.u32 s10, s4;
	s4 =	simm.s32 $0x0;
	s8 =	sshrl.u32 s14, $0x1  }
0x8: {  	s13 =	sadd.s32 $0x80, s6;
	s17 =	sadd.s32 s19, s3;
	s25 =	sadd.s32 $0x2800, s19  }
0x9: {  	s5 =	smul.u32 $0x4E2, s5;
	[smem:$0x7FF] =	sst s4;
	s9 =	ssub.s32 s14, s8  }
0xa: {  	s14 =	smul.u32 $0x19000, s10;
	_ =	strace $0x8000004D;
	[dreg:$0x4] =	wrdreg s7  }
0xb: {  	s16 =	smul.u32 $0xA0, s13;
	s22 =	sadd.s32 s0, s19;
	[dreg:$0x7] =	wrdreg s17  }
0xc: {  	s9 =	smax.u32 s9, $0x1;
	s23 =	sshrl.u32 s22, $0x3;
	s22 =	sadd.s32 $0x5000, s19  }
0xd: {  	s5 =	sadd.s32 s5, s2;
	s2 =	sadd.s32 $0x29E00, s2;
	s10 =	sshrl.u32 s14, $0x2  }
0xe: {  	s12 =	sadd.s32 $0xA000, s14;
	s21 =	sadd.s32 $0x14000, s14;
	s15 =	sadd.s32 $0x20000, s5  }
0xf: {  	s5 =	sadd.s32 $0x16200, s5;
	s10 =	sadd.s32 s10, s3;
	[dreg:$0x5] =	wrdreg s15  }
0x10: {  	s18 =	sshrl.u32 s12, $0x2;
	[dreg:$0x6] =	wrdreg s5;
	s5 =	sshrl.u32 s16, $0x2  }
0x11: {  	s15 =	sadd.s32 $0xF000, s14;
	s12 =	sadd.s32 s18, s3;
	s16 =	smul.u32 $0x28, s13  }
0x12: {  	s18 =	sadd.s32 s25, s3;
	s11 =	sadd.s32 s5, s3;
	s20 =	sshrl.u32 s15, $0x2  }
0x13: {  	s5 =	sshrl.u32 s21, $0x2;
	s15 =	sadd.s32 s2, s23;
	s13 =	sadd.s32 s20, s3  }
0x14: {  	s17 =	sadd.s32 s0, s16;
	s14 =	sadd.s32 s5, s3;
	s16 =	sadd.s32 s16, s3  }
0x15: {  	s5 =	sadd.s32 s0, s25;
	s20 =	sadd.s32 $0x3C00, s19;
	s25 =	simm.s32 $0x3  }
0x16: {  	s24 =	sshrl.u32 s17, $0x3;
	s5 =	sshrl.u32 s5, $0x3;
	s21 =	sadd.s32 s0, s20  }
0x17: {  	s0 =	sadd.s32 s0, s22;
	s20 =	sadd.s32 s20, s3;
	s22 =	sadd.s32 s22, s3  }
0x18: {  	s17 =	sadd.s32 s2, s24;
	s19 =	sadd.s32 s2, s5;
	s26 =	sshrl.u32 s21, $0x3  }
0x19: {  	s0 =	sshrl.u32 s0, $0x3;
	s24 =	simm.s32 $0x6720;
	s21 =	sadd.s32 s2, s26  }
0x1a: {  	s23 =	sadd.s32 s2, s0;
	s2 =	simm.s32 $0x2;
	s26 =	simm.s32 $0x0  }
.LBB2_1:
0x1b: {  	s0 =	rddreg [dreg:$0x4]  }
0x1c: {  	[tilespmem:s24], [sflag:$0x3] =	stream.linear.gather [hbm4b:s0+s4], $0x1400, $0x38;
	[tilespmem:$0xDF20] =	vst v63  }
0x1d: {  	_ =	swait.ge [sflag:s25], $0x1400  }
0x1e: {  	[sflag:s25] =	ssyncset.done $0x0  }
0x1f: {  	[sflag:s25] =	ssyncadd.s32 $0xFFFFEC00  }
0x20: {  	[spmem:s10] =	stream.linear.scatter [tilespmem:s24], [sflag:$0x3], $0x1400, $0x38;
	[tilespmem:$0xDF20] =	vst v63  }
0x21: {  	_ =	swait.ge [sflag:s25], $0x1400  }
0x22: {  	[sflag:s25] =	ssyncset.done $0x0  }
0x23: {  	[sflag:s25] =	ssyncadd.s32 $0xFFFFEC00  }
0x24: {  	[spmem:s11] =	stream.linear.scatter [tilespmem:s24], [sflag:$0x3], $0x1400, $0x38;
	[tilespmem:$0xDF20] =	vst v63  }
0x25: {  	_ =	swait.ge [sflag:s25], $0x1400  }
0x26: {  	[sflag:s25] =	ssyncset.done $0x0  }
0x27: {  	[sflag:s25] =	ssyncadd.s32 $0xFFFFEC00  }
0x28: {  	[spmem:s12] =	stream.linear.scatter [tilespmem:s24], [sflag:$0x3], $0x1400, $0x38;
	[tilespmem:$0xDF20] =	vst v63  }
0x29: {  	_ =	swait.ge [sflag:s25], $0x1400  }
0x2a: {  	[sflag:s25] =	ssyncset.done $0x0  }
0x2b: {  	[sflag:s25] =	ssyncadd.s32 $0xFFFFEC00  }
0x2c: {  	[spmem:s13] =	stream.linear.scatter [tilespmem:s24], [sflag:$0x3], $0x1400, $0x38;
	[tilespmem:$0xDF20] =	vst v63  }
0x2d: {  	_ =	swait.ge [sflag:s25], $0x1400  }
0x2e: {  	[sflag:s25] =	ssyncset.done $0x0  }
0x2f: {  	[sflag:s25] =	ssyncadd.s32 $0xFFFFEC00  }
0x30: {  	[spmem:s14] =	stream.linear.scatter [tilespmem:s24], [sflag:$0x3], $0x1400, $0x38;
	[tilespmem:$0xDF20] =	vst v63  }
0x31: {  	_ =	swait.ge [sflag:s25], $0x1400  }
0x32: {  	[sflag:s25] =	ssyncset.done $0x0  }
0x33: {  	s7 =	rddreg [dreg:$0x5];
	[sflag:s25] =	ssyncadd.s32 $0xFFFFEC00  }
0x34: {  	[tilespmem:s4], [sflag:$0x3] =	stream.linear.gather [hbm4b:s7+s4], $0x2710, $0x38;
	[tilespmem:$0xDF20] =	vst v63  }
0x35: {  	_ =	swait.ge [sflag:s25], $0x2710  }
0x36: {  	[sflag:s25] =	ssyncset.done $0x0  }
0x37: {  	s5 =	simm.s32 $0x2710;
	s8 =	rddreg [dreg:$0x6];
	[sflag:s25] =	ssyncadd.s32 $0xFFFFD8F0  }
0x38: {  	[tilespmem:s5], [sflag:$0x3] =	stream.linear.gather [hbm4b:s8+s4], $0x2710, $0x38;
	[tilespmem:$0xDF20] =	vst v63  }
0x39: {  	_ =	swait.ge [sflag:s25], $0x2710  }
0x3a: {  	[sflag:s25] =	ssyncset.done $0x0  }
0x3b: {  	[sflag:s25] =	ssyncadd.s32 $0xFFFFD8F0  }
0x3c: {  	[bflag:$0x0] =	sbarrier.arrive $0xFFFF  }
0x3d: {  	[tilespmem:s29], [sflag:$0x1] =	stream.indirect.gather [hbm4b:s1+s28], $0x28, s4, s28, $0xb8;
	[tilespmem:$0xDF20] =	vst v63  }
0x3e: {  	s5 =	simm.s32 $0x50  }
0x3f: {  	[tilespmem:s30], [sflag:$0x2] =	stream.indirect.gather [hbm4b:s1+s28], $0x28, s5, s28, $0xb8;
	[tilespmem:$0xDF20] =	vst v63  }
0x40: {  	_ =	swait.ge [sflag:s31], $0xC80  }
0x41: {  	[sflag:s31] =	ssyncset.done $0x0  }
0x42: {  	s6 =	simm.s32 $0x2710;
	[sflag:s31] =	ssyncadd.s32 $0xFFFFF380  }
0x43: {  	[spmem:s3] =	stream.indirect.scatter.add.f32 [tilespmem:s29], [sflag:$0x3], $0x28, s6, s28, $0xb8;
	[tilespmem:$0xDF20] =	vst v63  }
0x44: {  	_ =	swait.ge [sflag:s25], $0xC80  }
0x45: {  	[sflag:s25] =	ssyncset.done $0x0  }
0x46: {  	s7 =	simm.s32 $0xA0;
	[sflag:s25] =	ssyncadd.s32 $0xFFFFF380  }
0x47: {  	[tilespmem:s29], [sflag:$0x1] =	stream.indirect.gather [hbm4b:s1+s28], $0x28, s7, s28, $0xb8;
	[tilespmem:$0xDF20] =	vst v63  }
0x48: {  	_ =	swait.ge [sflag:s2], $0xC80  }
0x49: {  	[sflag:s2] =	ssyncset.done $0x0  }
0x4a: {  	s8 =	simm.s32 $0x2760;
	[sflag:s2] =	ssyncadd.s32 $0xFFFFF380  }
0x4b: {  	[spmem:s3] =	stream.indirect.scatter.add.f32 [tilespmem:s30], [sflag:$0x3], $0x28, s8, s28, $0xb8;
	[tilespmem:$0xDF20] =	vst v63  }
0x4c: {  	_ =	swait.ge [sflag:s25], $0xC80  }
0x4d: {  	s0 =	simm.s32 $0xA0;
	s5 =	simm.s32 $0x500;
	[sflag:s25] =	ssyncset.done $0x0  }
.LBB2_2:
0x4e: {  	s6 =	sadd.s32 $0x50, s0  }
0x4f: {  	[sflag:s25] =	ssyncadd.s32 $0xFFFFF380;
	s7 =	smov.u32 s5;
	s8 =	sadd.s32 $0x280, s5  }
0x50: {  	[tilespmem:s30], [sflag:$0x2] =	stream.indirect.gather [hbm4b:s1+s28], $0x28, s6, s28, $0xb8;
	[tilespmem:$0xDF20] =	vst v63  }
0x51: {  	p0 =	sne.s32 s5, $0x9880;
	_ =	swait.ge [sflag:s31], $0xC80  }
0x52: {  	[sflag:s31] =	ssyncset.done $0x0  }
0x53: {  	s5 =	sadd.s32 $0x2710, s0;
	[sflag:s31] =	ssyncadd.s32 $0xFFFFF380  }
0x54: {  	[spmem:s3] =	stream.indirect.scatter.add.f32 [tilespmem:s29], [sflag:$0x3], $0x28, s5, s28, $0xb8;
	[tilespmem:$0xDF20] =	vst v63  }
0x55: {  	_ =	swait.ge [sflag:s25], $0xC80  }
0x56: {  	[sflag:s25] =	ssyncset.done $0x0  }
0x57: {  	s5 =	sadd.s32 $0xA0, s0;
	[sflag:s25] =	ssyncadd.s32 $0xFFFFF380  }
0x58: {  	[tilespmem:s29], [sflag:$0x1] =	stream.indirect.gather [hbm4b:s1+s28], $0x28, s5, s28, $0xb8;
	[tilespmem:$0xDF20] =	vst v63  }
0x59: {  	_ =	swait.ge [sflag:s2], $0xC80  }
.Ltmp0:
0x5a: {  	[sflag:s2] =	ssyncset.done $0x0;
	(pc) =	sbr.rel @p0 .LBB2_2-.Ltmp0, $4  }
0x5b: {  	s0 =	sadd.s32 $0x2760, s0;
	[sflag:s2] =	ssyncadd.s32 $0xFFFFF380  }
0x5c: {  	[spmem:s3] =	stream.indirect.scatter.add.f32 [tilespmem:s30], [sflag:$0x3], $0x28, s0, s28, $0xb8;
	[tilespmem:$0xDF20] =	vst v63  }
0x5d: {  	_ =	swait.ge [sflag:s25], $0xC80  }
0x5e: {  	s5 =	smov.u32 s8;
	s0 =	sshra.s32 s7, $0x2;
	[sflag:s25] =	ssyncset.done $0x0  }
0x5f: {  	s5 =	sadd.s32 $0x50, s0;
	[sflag:s25] =	ssyncadd.s32 $0xFFFFF380  }
0x60: {  	[tilespmem:s30], [sflag:$0x2] =	stream.indirect.gather [hbm4b:s1+s28], $0x28, s5, s28, $0xb8;
	[tilespmem:$0xDF20] =	vst v63  }
0x61: {  	_ =	swait.ge [sflag:s31], $0xC80  }
0x62: {  	[sflag:s31] =	ssyncset.done $0x0  }
0x63: {  	s7 =	sadd.s32 $0x2710, s0;
	[sflag:s31] =	ssyncadd.s32 $0xFFFFF380  }
0x64: {  	[spmem:s3] =	stream.indirect.scatter.add.f32 [tilespmem:s29], [sflag:$0x3], $0x28, s7, s28, $0xb8;
	[tilespmem:$0xDF20] =	vst v63  }
0x65: {  	_ =	swait.ge [sflag:s25], $0xC80  }
0x66: {  	[sflag:s25] =	ssyncset.done $0x0  }
0x67: {  	s8 =	sadd.s32 $0xA0, s0;
	[sflag:s25] =	ssyncadd.s32 $0xFFFFF380  }
0x68: {  	[tilespmem:s29], [sflag:$0x1] =	stream.indirect.gather [hbm4b:s1+s28], $0x28, s8, s28, $0xb8;
	[tilespmem:$0xDF20] =	vst v63  }
0x69: {  	_ =	swait.ge [sflag:s2], $0xC80  }
0x6a: {  	[sflag:s2] =	ssyncset.done $0x0  }
0x6b: {  	s6 =	sadd.s32 $0x2760, s0;
	[sflag:s2] =	ssyncadd.s32 $0xFFFFF380  }
0x6c: {  	[spmem:s3] =	stream.indirect.scatter.add.f32 [tilespmem:s30], [sflag:$0x3], $0x28, s6, s28, $0xb8;
	[tilespmem:$0xDF20] =	vst v63  }
0x6d: {  	_ =	swait.ge [sflag:s25], $0xC80  }
0x6e: {  	[sflag:s25] =	ssyncset.done $0x0  }
0x6f: {  	[sflag:s25] =	ssyncadd.s32 $0xFFFFF380  }
0x70: {  	_ =	swait.ge [sflag:s31], $0xC80  }
0x71: {  	[sflag:s31] =	ssyncset.done $0x0  }
0x72: {  	s7 =	simm.s32 $0x4DD0;
	[sflag:s31] =	ssyncadd.s32 $0xFFFFF380  }
0x73: {  	[spmem:s3] =	stream.indirect.scatter.add.f32 [tilespmem:s29], [sflag:$0x3], $0x28, s7, s28, $0xb8;
	[tilespmem:$0xDF20] =	vst v63  }
0x74: {  	_ =	swait.ge [sflag:s25], $0xC80  }
0x75: {  	[sflag:s25] =	ssyncset.done $0x0  }
0x76: {  	[sflag:s25] =	ssyncadd.s32 $0xFFFFF380  }
0x77: {  	[bflag:$0x0] =	sbarrier.arrive $0xFFFF  }
0x78: {  	s8 =	rddreg [dreg:$0x7]  }
0x79: {  	[tilespmem:s24], [sflag:$0x3] =	stream.linear.gather [spmem:s8], $0x1400, $0x38;
	[tilespmem:$0xDF20] =	vst v63  }
0x7a: {  	_ =	swait.ge [sflag:s25], $0x1400  }
0x7b: {  	[sflag:s25] =	ssyncset.done $0x0  }
0x7c: {  	[sflag:s25] =	ssyncadd.s32 $0xFFFFEC00  }
0x7d: {  	[hbm4b:s15+s4] =	stream.linear.scatter [tilespmem:s24], [sflag:$0x3], $0x1400, $0x38;
	[tilespmem:$0xDF20] =	vst v63  }
0x7e: {  	_ =	swait.ge [sflag:s25], $0x1400  }
0x7f: {  	[sflag:s25] =	ssyncset.done $0x0  }
0x80: {  	[sflag:s25] =	ssyncadd.s32 $0xFFFFEC00  }
0x81: {  	[tilespmem:s24], [sflag:$0x3] =	stream.linear.gather [spmem:s16], $0x1400, $0x38;
	[tilespmem:$0xDF20] =	vst v63  }
0x82: {  	_ =	swait.ge [sflag:s25], $0x1400  }
0x83: {  	[sflag:s25] =	ssyncset.done $0x0  }
0x84: {  	[sflag:s25] =	ssyncadd.s32 $0xFFFFEC00  }
0x85: {  	[hbm4b:s17+s4] =	stream.linear.scatter [tilespmem:s24], [sflag:$0x3], $0x1400, $0x38;
	[tilespmem:$0xDF20] =	vst v63  }
0x86: {  	_ =	swait.ge [sflag:s25], $0x1400  }
0x87: {  	[sflag:s25] =	ssyncset.done $0x0  }
0x88: {  	[sflag:s25] =	ssyncadd.s32 $0xFFFFEC00  }
0x89: {  	[tilespmem:s24], [sflag:$0x3] =	stream.linear.gather [spmem:s18], $0x1400, $0x38;
	[tilespmem:$0xDF20] =	vst v63  }
0x8a: {  	_ =	swait.ge [sflag:s25], $0x1400  }
0x8b: {  	[sflag:s25] =	ssyncset.done $0x0  }
0x8c: {  	[sflag:s25] =	ssyncadd.s32 $0xFFFFEC00  }
0x8d: {  	[hbm4b:s19+s4] =	stream.linear.scatter [tilespmem:s24], [sflag:$0x3], $0x1400, $0x38;
	[tilespmem:$0xDF20] =	vst v63  }
0x8e: {  	_ =	swait.ge [sflag:s25], $0x1400  }
0x8f: {  	[sflag:s25] =	ssyncset.done $0x0  }
0x90: {  	[sflag:s25] =	ssyncadd.s32 $0xFFFFEC00  }
0x91: {  	[tilespmem:s24], [sflag:$0x3] =	stream.linear.gather [spmem:s20], $0x1400, $0x38;
	[tilespmem:$0xDF20] =	vst v63  }
0x92: {  	_ =	swait.ge [sflag:s25], $0x1400  }
0x93: {  	[sflag:s25] =	ssyncset.done $0x0  }
0x94: {  	[sflag:s25] =	ssyncadd.s32 $0xFFFFEC00  }
0x95: {  	[hbm4b:s21+s4] =	stream.linear.scatter [tilespmem:s24], [sflag:$0x3], $0x1400, $0x38;
	[tilespmem:$0xDF20] =	vst v63  }
0x96: {  	_ =	swait.ge [sflag:s25], $0x1400  }
0x97: {  	[sflag:s25] =	ssyncset.done $0x0  }
0x98: {  	[sflag:s25] =	ssyncadd.s32 $0xFFFFEC00  }
0x99: {  	[tilespmem:s24], [sflag:$0x3] =	stream.linear.gather [spmem:s22], $0x1400, $0x38;
	[tilespmem:$0xDF20] =	vst v63  }
0x9a: {  	s26 =	sadd.s32 $0x1, s26;
	_ =	swait.ge [sflag:s25], $0x1400  }
0x9b: {  	p0 =	sne.s32 s26, s9;
	[sflag:s25] =	ssyncset.done $0x0  }
.Ltmp1:
0x9c: {  	[sflag:s25] =	ssyncadd.s32 $0xFFFFEC00;
	(pc) =	sbr.rel @p0 .LBB2_1-.Ltmp1, $4  }
0x9d: {  	[hbm4b:s23+s4] =	stream.linear.scatter [tilespmem:s24], [sflag:$0x3], $0x1400, $0x38;
	[tilespmem:$0xDF20] =	vst v63  }
0x9e: {  	_ =	swait.ge [sflag:s25], $0x1400  }
0x9f: {  	[sflag:s25] =	ssyncset.done $0x0  }
0xa0: {  	[sflag:s25] =	ssyncadd.s32 $0xFFFFEC00  }
0xa1: {  	_ =	sfence.sel $0x180000  }
0xa2: {  	[bflag:$0x0] =	sbarrier.arrive $0xFFFF  }
0xa3: {  	_ =	strace $0x9000004D  }
0xa4: {  	s0 =	stileid.u32;
	[bflag:$0x2] =	sbarrier.arrive $0xFFFF  }
0xa5: {  	p0 =	sne.s32 s0, $0x0;
	s0 =	rddreg [dreg:$0x3]  }
0xa6: {  	s0 =	sadd.s32 @!p0 $0x100000, s0  }
0xa7: {  	[sflag:s0] =	ssyncadd.tile.s32 @!p0 $0x1;
	_ =	shalt  }
.Lfunc_end2:
_tile_overlayer_lowered:
.L_overlay_start_2:
0xa8: {  	(tag) =	ssettag $0x2  }
0xa9: {  	s0 =	rddreg [dreg:$0x0];
	s2 =	stileid.u32  }
0xaa: {  	s1 =	rddreg [dreg:$0x1];
	p0 =	sne.s32 s2, $0x0  }
0xab: {  	s3 =	rddreg [dreg:$0x2];
	[bflag:$0x3] =	sbarrier.arrive $0xFFFF;
	s2 =	simm.s32 @!p0 $0x1C03  }
0xac: {  	[timem:s3], [sflag:s2] =	dma.local @!p0 [hbm:s0], s1  }
0xad: {  	s0 =	simm.s32 @!p0 $0x3  }
0xae: {  	_ =	swait.ge @!p0 [sflag:s0], s1  }
0xaf: {  	s1 =	ssub.s32 @!p0 $0x0, s1;
	[sflag:s0] =	ssyncset.done @!p0 $0x0  }
0xb0: {  	[sflag:s0] =	ssyncadd.s32 @!p0 s1  }
0xb1: {  	[bflag:$0x3] =	sbarrier.arrive $0xFFFF  }
0xb2: {  	_ =	shalt  }

// kernel: kernel.8.cloned.1.call-start
scs
__scs_entry_jumppad:
0x0: {  	(pc) =	sbr.rel $0x88, $3  }
0x1: {  	(tag) =	ssettag $0x0;
	lr =	simm.s32 $0x1  }
0x2: {  	[smem:$0x3F9B] =	sst lr;
	_ =	strace $0xD0000000  }
0x3: {  	_ = 	snop  }
0x4: {  	_ = 	snop  }
0x5: {  	_ = 	snop  }
0x6: {  	_ = 	snop  }
0x7: {  	_ = 	snop  }
__scs_overlays_trampoline_lowered:
0x8: {  	[smem:$0x3FAA] =	sst s0  }
0x9: {  	[smem:$0x3FAB] =	sst s1  }
0xa: {  	[smem:$0x3FAC] =	sst s2  }
0xb: {  	[smem:$0x3FAD] =	sst s3  }
0xc: {  	[smem:$0x3FAE] =	sst s4  }
0xd: {  	[smem:$0x3FAF] =	sst s5  }
0xe: {  	[smem:$0x3FB0] =	sst s6  }
0xf: {  	[smem:$0x3FB1] =	sst s7  }
0x10: {  	[smem:$0x3FB2] =	sst s8  }
0x11: {  	[smem:$0x3FB3] =	sst s9;
	s0 =	simm.s32 @!p0 $0x0  }
0x12: {  	s1 =	sld [smem:$0x3F99];
	s0 =	simm.s32 @p0 $0x1  }
0x13: {  	[smem:$0x3FB4] =	sst s0;
	s0 =	simm.s32 @!p1 $0x0  }
0x14: {  	s2 =	sld [smem:$0x3F98];
	s0 =	simm.s32 @p1 $0x1  }
0x15: {  	[smem:$0x3FB5] =	sst s0;
	s0 =	simm.s32 @!p2 $0x0  }
0x16: {  	s3 =	sld [smem:$0x3FDB];
	s0 =	simm.s32 @p2 $0x1  }
0x17: {  	s4 =	simm.s32 $0x1BF5;
	[smem:$0x3FB7] =	sst s0  }
0x18: {  	s0 =	sld [smem:$0x3F9A];
	_ =	swait.ge [sflag:s4], $0x0  }
0x19: {  	s7 =	sld [smem:$0x3F9B]  }
0x1a: {  	s8 =	sadd.s32 $0xFFFFE003, lr  }
0x1b: {  	s9 =	sadd.s32 $0xFFFFFEF7, lr;
	s5 =	simm.s32 $0xFFFFFFFF;
	p2 =	slt.u32 s8, $0xFFFFF086  }
0x1c: {  	p1 =	slt.u32 s9, $0xF7A;
	s5 =	simm.s32 @!p2 $0x0  }
0x1d: {  	s5 =	simm.s32 @p1 $0x1;
	p0 =	seq.s32 s7, s2  }
0x1e: {  	s7 =	smul.u32 @!p0 $0xF7A, s2;
	p2 =	seq.s32 @!p0 s5, $0x0  }
0x1f: {  	s9 =	smul.u32 $0xF7A, s1;
	s8 =	simm.s32 @!p0 $0x1BF5;
	p2 =	por !p2, p0  }
0x20: {  	[sflag:s8] =	ssyncset.s32 @!p0 $0xFFFFF086;
	s6 =	sadd.s32 @!p0 s3, s7;
	s7 =	simm.s32 @!p0 $0x108  }
0x21: {  	s3 =	sadd.s32 s3, s9;
	s6 =	sadd.s32 @!p0 $0x88, s6;
	s7 =	simm.s32 @p2 $0x1082  }
0x22: {  	[simem:s7], [sflag:s8] =	dma.local @!p0 [hbm:s6], $0xF7A  }
0x23: {  	s9 =	sor.u32 $0xD0000000, s2;
	s6 =	simm.s32 $0x108;
	_ =	swait.ge @!p0 [sflag:s8], $0x0  }
0x24: {  	s3 =	sadd.s32 $0x88, s3;
	s6 =	simm.s32 @!p1 $0x1082;
	[sflag:s4] =	ssyncset.s32 $0xFFFFF086  }
0x25: {  	[simem:s6], [sflag:s4] =	dma.local [hbm:s3], $0xF7A  }
0x26: {  	[smem:$0x3F9B] =	sst s1;
	(tag) =	ssettag s2;
	_ =	strace s9  }
0x27: {  	s1 =	sld [smem:$0x3FAB]  }
0x28: {  	s2 =	sld [smem:$0x3FAC]  }
0x29: {  	s4 =	sld [smem:$0x3FAE]  }
0x2a: {  	p0 =	seq.s32 s5, $0x0;
	s5 =	sld [smem:$0x3FAF]  }
0x2b: {  	s6 =	sld [smem:$0x3FB0]  }
0x2c: {  	s7 =	sld [smem:$0x3FB1]  }
0x2d: {  	s3 =	simm.s32 $0x108;
	s8 =	sld [smem:$0x3FB2]  }
0x2e: {  	s3 =	simm.s32 @!p0 $0x1082;
	s9 =	sld [smem:$0x3FB3]  }
0x2f: {  	lr =	sadd.s32 s0, s3;
	s0 =	sld [smem:$0x3FAA]  }
0x30: {  	s3 =	sld [smem:$0x3FAD]  }
0x31: {  	[smem:$0x3FB6] =	sst s10  }
0x32: {  	s10 =	sld [smem:$0x3FB4];
	_ =	sdelay $0x3  }
0x33: {  	p0 =	seq.s32 s10, $0x1;
	s10 =	sld [smem:$0x3FB6];
	_ =	sdelay $0x3  }
0x34: {  	[smem:$0x3FB6] =	sst s10  }
0x35: {  	s10 =	sld [smem:$0x3FB5];
	_ =	sdelay $0x3  }
0x36: {  	p1 =	seq.s32 s10, $0x1;
	s10 =	sld [smem:$0x3FB6];
	_ =	sdelay $0x3  }
0x37: {  	[smem:$0x3FB6] =	sst s10  }
0x38: {  	s10 =	sld [smem:$0x3FB7]  }
0x39: {  	_ = 	snop;
	(pc) =	sbr.ind lr, $3  }
0x3a: {  	_ = 	snop  }
0x3b: {  	_ = 	snop  }
0x3c: {  	p2 =	seq.s32 s10, $0x1;
	s10 =	sld [smem:$0x3FB6]  }
0x3d: {  	_ =	shalt  }
0x3e: {  	_ =	shalt  }
0x3f: {  	_ =	shalt  }
0x40: {  	_ =	shalt  }
0x41: {  	_ =	shalt  }
0x42: {  	_ =	shalt  }
0x43: {  	_ =	shalt  }
0x44: {  	_ =	shalt  }
0x45: {  	_ =	shalt  }
0x46: {  	_ =	shalt  }
0x47: {  	_ =	shalt  }
0x48: {  	_ =	shalt  }
0x49: {  	_ =	shalt  }
0x4a: {  	_ =	shalt  }
0x4b: {  	_ =	shalt  }
0x4c: {  	_ =	shalt  }
0x4d: {  	_ =	shalt  }
0x4e: {  	_ =	shalt  }
0x4f: {  	_ =	shalt  }
0x50: {  	_ =	shalt  }
0x51: {  	_ =	shalt  }
0x52: {  	_ =	shalt  }
0x53: {  	_ =	shalt  }
0x54: {  	_ =	shalt  }
0x55: {  	_ =	shalt  }
0x56: {  	_ =	shalt  }
0x57: {  	_ =	shalt  }
0x58: {  	_ =	shalt  }
0x59: {  	_ =	shalt  }
0x5a: {  	_ =	shalt  }
0x5b: {  	_ =	shalt  }
0x5c: {  	_ =	shalt  }
0x5d: {  	_ =	shalt  }
0x5e: {  	_ =	shalt  }
0x5f: {  	_ =	shalt  }
0x60: {  	_ =	shalt  }
0x61: {  	_ =	shalt  }
0x62: {  	_ =	shalt  }
0x63: {  	_ =	shalt  }
0x64: {  	_ =	shalt  }
0x65: {  	_ =	shalt  }
0x66: {  	_ =	shalt  }
0x67: {  	_ =	shalt  }
0x68: {  	_ =	shalt  }
0x69: {  	_ =	shalt  }
0x6a: {  	_ =	shalt  }
0x6b: {  	_ =	shalt  }
0x6c: {  	_ =	shalt  }
0x6d: {  	_ =	shalt  }
0x6e: {  	_ =	shalt  }
0x6f: {  	_ =	shalt  }
0x70: {  	_ =	shalt  }
0x71: {  	_ =	shalt  }
0x72: {  	_ =	shalt  }
0x73: {  	_ =	shalt  }
0x74: {  	_ =	shalt  }
0x75: {  	_ =	shalt  }
0x76: {  	_ =	shalt  }
0x77: {  	_ =	shalt  }
0x78: {  	_ =	shalt  }
0x79: {  	_ =	shalt  }
0x7a: {  	_ =	shalt  }
0x7b: {  	_ =	shalt  }
0x7c: {  	_ =	shalt  }
0x7d: {  	_ =	shalt  }
0x7e: {  	_ =	shalt  }
0x7f: {  	_ =	shalt  }
0x80: {  	_ =	shalt  }
0x81: {  	_ =	shalt  }
0x82: {  	_ =	shalt  }
0x83: {  	_ =	shalt  }
0x84: {  	_ =	shalt  }
0x85: {  	_ =	shalt  }
0x86: {  	_ =	shalt  }
0x87: {  	_ =	shalt  }
.Lfunc_end0:
.L_simem_size_0:
called_computation_lowered:
.L_overlay_start_0:
0x88: {  	s2 =	sld [smem:$0x3FD9]  }
0x89: {  	s3 =	sld [smem:$0x3FFE];
	_ =	sdelay $0x1  }
0x8a: {  	s1 =	srdreg.scid  }
0x8b: {  	s0 =	sand.u32 $0x1, s1  }
0x8c: {  	s17 =	sshll.u32 s0, $0xA;
	s2 =	sadd.s32 s3, s2  }
0x8d: {  	s2 =	sadd.s32 s2, s17  }
0x8e: {  	[smem:$0x3FC2] =	sst s2  }
0x8f: {  	_ = 	snop  }
0x90: {  	s2 =	sld [smem:$0x3FD0];
	(tm) =	ssettm $0x1  }
0x91: {  	s18 =	sld [smem:$0x3FFB];
	_ =	sdelay $0x3  }
0x92: {  	_ =	strace s18  }
0x93: {  	s3 =	sld [smem:$0x3FFC];
	_ =	sdelay $0x3  }
0x94: {  	_ =	strace s3  }
0x95: {  	s3 =	sld [smem:$0x3FFD];
	_ =	sdelay $0x3  }
0x96: {  	_ =	strace s3  }
0x97: {  	_ =	strace $0x8FFFFFFF  }
0x98: {  	s19 =	sld [smem:$0x3FDB];
	_ =	sdelay $0x1  }
0x99: {  	s4 =	simm.s32 $_scs_section_size  }
0x9a: {  	s5 =	simm.s32 $_size__tile_overlayer_lowered;
	s6 =	simm.s32 $_tile_overlayer_lowered  }
0x9b: {  	s22 =	simm.s32 $0x1BFF;
	s21 =	sshll.u32 s6, $0x1;
	s3 =	sadd.s32 s4, s19  }
0x9c: {  	s7 =	simm.s32 $0x0;
	s20 =	sshll.u32 s5, $0x1;
	s5 =	sadd.s32 s21, s3  }
0x9d: {  	[timem:s7], [sflag:s22] =	dma.local [hbm:s5], s20  }
0x9e: {  	_ =	swait.ge [sflag:s22], s20  }
0x9f: {  	s4 =	ssub.s32 $0x0, s20;
	[sflag:s22] =	ssyncset.done $0x0  }
0xa0: {  	[sflag:s22] =	ssyncadd.s32 s4;
	_ =	sdelay $0x1  }
0xa1: {  	s23 =	simm.s32 $0x1B8B  }
0xa2: {  	_ =	swait.ge [sflag:s23], $0x1  }
0xa3: {  	[sflag:s23] =	ssyncset.done $0x0  }
0xa4: {  	s25 =	simm.s32 $0x1B8E;
	s24 =	sld [smem:$0x3FFE];
	[sflag:s23] =	ssyncadd.s32 $0xFFFFFFFF  }
0xa5: {  	s26 =	simm.s32 $execute0_lowered;
	[smem:$0x3FD2] =	sst s25  }
0xa6: {  	s5 =	sshll.u32 s26, $0x1;
	_ =	strace $0x80000046;
	[dreg:$0x1] =	wrdreg $0xFFFFFFFF  }
0xa7: {  	s28 =	simm.s32 $_size_execute0_lowered;
	s3 =	sadd.s32 s3, s5;
	[dreg:$0x0] =	wrdreg $0x0  }
0xa8: {  	s5 =	sshll.u32 s28, $0x1;
	[dreg:$0x2] =	wrdreg s3  }
0xa9: {  	[dreg:$0x3] =	wrdreg s5  }
0xaa: {  	[dreg:$0x4] =	wrdreg $0xC0  }
0xab: {  	_ =	task [dreg:s7], $0x5FFFF  }
0xac: {  	[dreg:$0x1] =	wrdreg $0xFFFFFFFF  }
0xad: {  	[dreg:$0x0] =	wrdreg $0x60  }
0xae: {  	[dreg:$0x2] =	wrdreg s24  }
0xaf: {  	[dreg:$0x3] =	wrdreg s2  }
0xb0: {  	[dreg:$0x4] =	wrdreg $0x50F00  }
0xb1: {  	[dreg:$0x5] =	wrdreg $0x9  }
0xb2: {  	_ =	task.clear_ibuf [dreg:s7], $0x6FFFF;
	_ =	strace $0x90000046  }
0xb3: {  	s29 =	simm.s32 $0x9;
	_ =	strace $0x80000048  }
0xb4: {  	_ =	swait.ge [sflag:s29], $0x1  }
0xb5: {  	[sflag:s29] =	ssyncadd.s32 $0xFFFFFFFF  }
0xb6: {  	_ =	strace $0x90000048  }
0xb7: {  	_ =	sfence  }
0xb8: {  	s30 =	sld [smem:$0x0];
	_ =	sdelay $0x2  }
0xb9: {  	s31 =	sshll.u32 s1, $0xD;
	s1 =	sshrl.u32 s1, $0x2  }
0xba: {  	s3 =	sand.u32 $0x4000, s31;
	s1 =	sadd.s32 s1, s30  }
0xbb: {  	s0 =	sor.u32 s3, s0;
	s1 =	sshll.u32 s1, $0x11  }
0xbc: {  	s0 =	sor.u32 s1, s0  }
0xbd: {  	s0 =	sadd.s32 $0x8F2B, s0  }
0xbe: {  	[sflag:s0] =	ssyncadd.remote.s32 $0x1  }
0xbf: {  	_ =	sfence.sel $0xFFFF  }
0xc0: {  	[dreg:$0x0] =	wrdreg $0xFFFFFFFF;
	(pc) =	sbr.abs _section_cstart, $3  }
0xc1: {  	[dreg:$0x1] =	wrdreg $0xFFFFFFFF  }
0xc2: {  	_ =	task.clear_ibuf [dreg:s7], $0x2FFFF;
	_ =	strace $0x9FFFFFFF  }
0xc3: {  	(tm) =	ssettm $0x7FFFFFFF  }
tec
execute0_lowered:
.L_overlay_start_1:
0x0: {  	(tag) =	ssettag $0x1  }
0x1: {  	s6 =	rddreg [dreg:$0x0]  }
0x2: {  	s9 =	rddreg [dreg:$0x1]  }
0x3: {  	s0 =	srdreg.scid;
	s2 =	rddreg [dreg:$0x2]  }
0x4: {  	s1 =	rddreg [dreg:$0x3];
	s3 =	simm.s32 $0x0;
	s8 =	sand.u32 $0x1, s0  }
0x5: {  	s14 =	simm.s32 $0x0;
	s0 =	stileid.u32;
	s4 =	smul.u32 $0x4E200, s8  }
0x6: {  	[smem:$0x7FF] =	sst s3;
	s13 =	sadd.s32 $0x15C00, s6;
	s5 =	smul.u32 $0x4E20, s0  }
0x7: {  	_ =	strace $0x80000047;
	s10 =	ssub.s32 $0x2, s8;
	p0 =	seq.s32 s8, $0x1  }
0x8: {  	s12 =	smul.u32 $0x280, s0;
	s11 =	sshrl.u32 s10, $0x1;
	s9 =	smov.u32 @p0 s13  }
0x9: {  	s13 =	simm.s32 $0x50;
	s4 =	sadd.s32 s5, s4;
	s5 =	sadd.s32 $0x15800, s6  }
0xa: {  	s10 =	ssub.s32 s10, s11;
	s31 =	sshrl.u32 s12, $0x3;
	s11 =	simm.s32 $0x1  }
0xb: {  	s4 =	sshrl.u32 s4, $0x3;
	s8 =	smax.u32 s10, $0x1;
	s9 =	sadd.s32 s9, s31  }
0xc: {  	s10 =	simm.s32 $0x4E70;
	s7 =	sadd.s32 s4, s6;
	s4 =	sadd.s32 $0x15A00, s6  }
0xd: {  	s6 =	sadd.s32 s12, s2;
	s12 =	simm.s32 $0x4E20;
	s7 =	sadd.s32 $0x1E00, s7  }
.LBB2_1:
0xe: {  	[tilespmem:s10], [sflag:$0x1] =	stream.linear.gather [hbm4b:s5+s3], $0x280, $0x38;
	[tilespmem:$0x5370] =	vst v63  }
0xf: {  	_ =	swait.ge [sflag:s11], $0x280  }
0x10: {  	[sflag:s11] =	ssyncset.done $0x0  }
0x11: {  	[sflag:s11] =	ssyncadd.s32 $0xFFFFFD80  }
0x12: {  	[spmem:s6] =	stream.linear.scatter [tilespmem:s10], [sflag:$0x1], $0x280, $0x38;
	[tilespmem:$0x5370] =	vst v63  }
0x13: {  	_ =	swait.ge [sflag:s11], $0x280  }
0x14: {  	[sflag:s11] =	ssyncset.done $0x0  }
0x15: {  	[sflag:s11] =	ssyncadd.s32 $0xFFFFFD80  }
0x16: {  	[tilespmem:s12], [sflag:$0x1] =	stream.linear.gather [hbm4b:s4+s3], $0x50, $0x38;
	[tilespmem:$0x5370] =	vst v63  }
0x17: {  	_ =	swait.ge [sflag:s11], $0x50  }
0x18: {  	[sflag:s11] =	ssyncset.done $0x0  }
0x19: {  	[sflag:s11] =	ssyncadd.s32 $0xFFFFFFB0  }
0x1a: {  	[tilespmem:s3], [sflag:$0x1] =	stream.linear.gather [hbm4b:s7+s3], $0x4E20, $0x38;
	[tilespmem:$0x5370] =	vst v63  }
0x1b: {  	_ =	swait.ge [sflag:s11], $0x4E20  }
0x1c: {  	[sflag:s11] =	ssyncset.done $0x0  }
0x1d: {  	[sflag:s11] =	ssyncadd.s32 $0xFFFFB1E0  }
0x1e: {  	s15 =	simm.s32 $0x0;
	[bflag:$0x0] =	sbarrier.arrive $0xFFFF  }
0x1f: {  	[spmem:s2] =	stream.indirect.scatter.add.f32 [tilespmem:s12], [sflag:$0x1], $0x1, s15, s13, $0xb8;
	[tilespmem:$0x5370] =	vst v63  }
0x20: {  	_ =	swait.ge [sflag:s11], $0x50  }
0x21: {  	s15 =	simm.s32 $0x140;
	[sflag:s11] =	ssyncset.done $0x0  }
.LBB2_2:
0x22: {  	s16 =	sshra.s32 s15, $0x2;
	[sflag:s11] =	ssyncadd.s32 $0xFFFFFFB0;
	p0 =	sne.s32 s15, $0x13740  }
0x23: {  	[spmem:s2] =	stream.indirect.scatter.add.f32 [tilespmem:s12], [sflag:$0x1], $0x1, s16, s13, $0xb8;
	[tilespmem:$0x5370] =	vst v63  }
.Ltmp0:
0x24: {  	_ = 	snop;
	(pc) =	sbr.rel @p0 .LBB2_2-.Ltmp0, $4  }
0x25: {  	_ = 	snop  }
0x26: {  	s15 =	sadd.s32 $0x140, s15  }
0x27: {  	_ =	swait.ge [sflag:s11], $0x50  }
0x28: {  	[sflag:s11] =	ssyncset.done $0x0  }
0x29: {  	[sflag:s11] =	ssyncadd.s32 $0xFFFFFFB0  }
0x2a: {  	[bflag:$0x0] =	sbarrier.arrive $0xFFFF  }
0x2b: {  	[tilespmem:s10], [sflag:$0x1] =	stream.linear.gather [spmem:s6], $0x280, $0x38;
	[tilespmem:$0x5370] =	vst v63  }
0x2c: {  	s14 =	sadd.s32 $0x1, s14;
	_ =	swait.ge [sflag:s11], $0x280  }
0x2d: {  	p0 =	sne.s32 s14, s8;
	[sflag:s11] =	ssyncset.done $0x0  }
.Ltmp1:
0x2e: {  	[sflag:s11] =	ssyncadd.s32 $0xFFFFFD80;
	(pc) =	sbr.rel @p0 .LBB2_1-.Ltmp1, $4  }
0x2f: {  	[hbm4b:s9+s3] =	stream.linear.scatter [tilespmem:s10], [sflag:$0x1], $0x280, $0x38;
	[tilespmem:$0x5370] =	vst v63  }
0x30: {  	_ =	swait.ge [sflag:s11], $0x280  }
0x31: {  	[sflag:s11] =	ssyncset.done $0x0  }
0x32: {  	[sflag:s11] =	ssyncadd.s32 $0xFFFFFD80  }
0x33: {  	_ =	sfence.sel $0x180000  }
0x34: {  	[bflag:$0x0] =	sbarrier.arrive $0xFFFF  }
0x35: {  	p0 =	sne.s32 s0, $0x0;
	_ =	strace $0x90000047  }
0x36: {  	s0 =	sadd.s32 @!p0 $0x100000, s1;
	[bflag:$0x2] =	sbarrier.arrive $0xFFFF  }
0x37: {  	[sflag:s0] =	ssyncadd.tile.s32 @!p0 $0x1;
	_ =	shalt  }
.Lfunc_end2:
_tile_overlayer_lowered:
.L_overlay_start_2:
0x38: {  	(tag) =	ssettag $0x2  }
0x39: {  	s0 =	rddreg [dreg:$0x0];
	s2 =	stileid.u32  }
0x3a: {  	s1 =	rddreg [dreg:$0x1];
	p0 =	sne.s32 s2, $0x0  }
0x3b: {  	s3 =	rddreg [dreg:$0x2];
	[bflag:$0x3] =	sbarrier.arrive $0xFFFF;
	s2 =	simm.s32 @!p0 $0x1C01  }
0x3c: {  	[timem:s3], [sflag:s2] =	dma.local @!p0 [hbm:s0], s1  }
0x3d: {  	s0 =	simm.s32 @!p0 $0x1  }
0x3e: {  	_ =	swait.ge @!p0 [sflag:s0], s1  }
0x3f: {  	s1 =	ssub.s32 @!p0 $0x0, s1;
	[sflag:s0] =	ssyncset.done @!p0 $0x0  }
0x40: {  	[sflag:s0] =	ssyncadd.s32 @!p0 s1  }
0x41: {  	[bflag:$0x3] =	sbarrier.arrive $0xFFFF  }
0x42: {  	_ =	shalt  }

</sc_bundles>
